<compile_context>
chip_gen: v7x
topology: tpu7x:2x2x1
jax: 0.10.2.dev20260603
libtpu: 0.0.44.dev20260713+nightly
codegen_flags: <defaults>
</compile_context>

<pallas_src>
import functools

import jax
import jax.numpy as jnp
from jax import lax
from jax.experimental import pallas as pl
from jax.experimental.pallas import tpu as pltpu
from jax.experimental.pallas import tpu_sc as plsc

_SCALE = 10.0
_D = 32
_LANES = 16


@functools.partial(jax.jit, static_argnames=("b_per_w", "chunk", "n_workers"))
def _scaled_embedding(x_flat, weight, *, b_per_w, chunk, n_workers):
    n_chunks = b_per_w // chunk
    num_b = x_flat.shape[0]
    mesh = plsc.VectorSubcoreMesh(core_axis_name="c", subcore_axis_name="s")
    n_cores = mesh.num_cores

    @functools.partial(
        pl.kernel,
        out_type=jax.ShapeDtypeStruct((num_b, _D), jnp.float32),
        mesh=mesh,
        scratch_types=[
            pltpu.VMEM((b_per_w,), jnp.int32),
            pltpu.VMEM((chunk, _D), jnp.float32),
            pltpu.VMEM((chunk, _D), jnp.float32),
            pltpu.SemaphoreType.DMA,
            pltpu.SemaphoreType.DMA,
        ],
        compiler_params=pltpu.CompilerParams(use_tc_tiling_on_sc=False),
    )
    def body(x_hbm, w_hbm, out_hbm, idx_v, buf0, buf1, sem0, sem1):
        wid = lax.axis_index("s") * n_cores + lax.axis_index("c")
        base = wid * b_per_w
        pltpu.sync_copy(x_hbm.at[pl.ds(base, b_per_w)], idx_v)

        bufs = (buf0, buf1)
        sems = (sem0, sem1)

        def start_gather(g):
            p = g % 2
            return pltpu.async_copy(
                w_hbm.at[idx_v.at[pl.ds(g * chunk, chunk)]], bufs[p], sems[p]
            )

        descs = [None] * n_chunks
        descs[0] = start_gather(0)
        if n_chunks > 1:
            descs[1] = start_gather(1)

        for g in range(n_chunks):
            p = g % 2
            buf = bufs[p]
            descs[g].wait()

            @plsc.parallel_loop(0, chunk, unroll=8)
            def _(i, _buf=buf):
                _buf[i, pl.ds(0, _LANES)] = _buf[i, pl.ds(0, _LANES)] * _SCALE
                _buf[i, pl.ds(_LANES, _LANES)] = (
                    _buf[i, pl.ds(_LANES, _LANES)] * _SCALE
                )

            pltpu.sync_copy(buf, out_hbm.at[pl.ds(base + g * chunk, chunk)])
            if g + 2 < n_chunks:
                descs[g + 2] = start_gather(g + 2)

    return body(x_flat, weight)


def kernel(x, weight):
    b0, b1 = x.shape
    num_b = b0 * b1
    x_flat = x.reshape(num_b)
    if x_flat.dtype != jnp.int32:
        x_flat = x_flat.astype(jnp.int32)
    n_workers = 32
    b_per_w = num_b // n_workers
    out = _scaled_embedding(
        x_flat, weight, b_per_w=b_per_w, chunk=1664, n_workers=n_workers
    )
    return out.reshape(b0, b1, _D)

# --- scband reference (transcript-rebuilt; emitter-appended) ---
"""Pipeline reference for scband-scaled-embedding-76991583748289 (READ-ONLY COPY).

The authoritative reference and input builder live on the scoring server;
editing this copy changes nothing except your own understanding.
"""

import jax, jax.numpy as jnp
import numpy as np

NUM_EMBEDDINGS = 1000000
EMBEDDING_DIM = 32
SCALE = 10.0

def setup_inputs(seed: int = 0) -> dict:
    key = jax.random.key(seed)
    k1, k2 = jax.random.split(key)
    x = jax.random.randint(k1, (16384, 26), 0, NUM_EMBEDDINGS, dtype=jnp.int64) if jax.config.jax_enable_x64 else jax.random.randint(k1, (16384, 26), 0, NUM_EMBEDDINGS, dtype=jnp.int32)
    # embedding weight initialized ~N(0,1) (as nn.Embedding) then divided by scale
    weight = jax.random.normal(k2, (NUM_EMBEDDINGS, EMBEDDING_DIM), dtype=jnp.float32) / SCALE
    return {"x": x, "weight": weight}

def reference(x, weight):
    # forward: embedding lookup then multiply by scale
    out = jnp.take(weight, x, axis=0) * SCALE
    return out

if __name__ == "__main__":
    import jax
    _d = setup_inputs()
    print(jax.jit(kernel)(*tuple(_d.values())))

</pallas_src>

<mosaic_0001>
#map = affine_map<(d0, d1) -> (0)>
#map1 = affine_map<(d0, d1) -> (0, 0)>
module attributes {stable_mosaic.version = 14 : i64} {
  func.func @body(%arg0: i32, %arg1: i32, %arg2: memref<425984xi32, #tpu.memory_space<hbm>>, %arg3: memref<1000000x32xf32, #tpu.memory_space<hbm>>, %arg4: memref<425984x32xf32, #tpu.memory_space<hbm>>, %arg5: memref<13312xi32, #tpu.memory_space<vmem>>, %arg6: memref<1664x32xf32, #tpu.memory_space<vmem>>, %arg7: memref<1664x32xf32, #tpu.memory_space<vmem>>, %arg8: memref<!tpu.dma_semaphore, #tpu.memory_space<semaphore_mem>>, %arg9: memref<!tpu.dma_semaphore, #tpu.memory_space<semaphore_mem>>) attributes {dimension_semantics = [#tpu.dimension_semantics<core_parallel>, #tpu.dimension_semantics<subcore_parallel>], iteration_bounds = array<i64: 2, 16>, scalar_prefetch = 0 : i64, scratch_operands = 5 : i64, tpu.core_type = #tpu.core_type<sc_vector_subcore>, window_params = [{transform_indices = #map}, {transform_indices = #map1}, {transform_indices = #map1}]} {
    %mul3A = arith.constant 2 : i32
    %mul3A_0 = arith.muli %arg1, %mul3A : i32
    %add3A = arith.addi %mul3A_0, %arg0 : i32
    %mul3A_1 = arith.constant 13312 : i32
    %mul3A_2 = arith.muli %add3A, %mul3A_1 : i32
    "tpu.region"() ({
      %run_scoped3A = tpu.sem_alloc : memref<!tpu.dma_semaphore, #tpu.memory_space<semaphore_mem>>
      %dma_start3A_120 = tpu.memref_slice %arg2[%mul3A_2] : memref<425984xi32, #tpu.memory_space<hbm>> -> memref<13312xi32, #tpu.memory_space<hbm>>
      %dma_start3A_121 = tpu.memref_slice %arg2[%mul3A_2] : memref<425984xi32, #tpu.memory_space<hbm>> -> memref<13312xi32, #tpu.memory_space<hbm>>
      tpu.enqueue_dma source(%dma_start3A_121 : memref<13312xi32, #tpu.memory_space<hbm>>) target(%arg5 : memref<13312xi32, #tpu.memory_space<vmem>>) target_semaphore(%run_scoped3A : memref<!tpu.dma_semaphore, #tpu.memory_space<semaphore_mem>>)
      %dma_wait3A_122 = tpu.memref_slice %arg2[%mul3A_2] : memref<425984xi32, #tpu.memory_space<hbm>> -> memref<13312xi32, #tpu.memory_space<hbm>>
      %dma_wait3A_123 = tpu.memref_slice %arg2[%mul3A_2] : memref<425984xi32, #tpu.memory_space<hbm>> -> memref<13312xi32, #tpu.memory_space<hbm>>
      tpu.wait_dma2 semaphore(%run_scoped3A : memref<!tpu.dma_semaphore, #tpu.memory_space<semaphore_mem>>) src(%dma_wait3A_123 : memref<13312xi32, #tpu.memory_space<hbm>>) dst(%arg5 : memref<13312xi32, #tpu.memory_space<vmem>>)
      tpu.yield
    }) : () -> ()
    %dma_start3A = arith.constant 0 : i32
    %dma_start3A_3 = tpu.memref_slice %arg5[%dma_start3A] : memref<13312xi32, #tpu.memory_space<vmem>> -> memref<1664xi32, #tpu.memory_space<vmem>>
    %dma_start3A_4 = arith.constant 0 : i32
    %dma_start3A_5 = arith.constant 0 : i32
    %dma_start3A_6 = tpu.memref_slice %arg3[%dma_start3A_4, %dma_start3A_5] : memref<1000000x32xf32, #tpu.memory_space<hbm>> -> memref<1000000x32xf32, #tpu.memory_space<hbm>>
    tpu.enqueue_indirect_dma source(%dma_start3A_6 : memref<1000000x32xf32, #tpu.memory_space<hbm>>) target(%arg6 : memref<1664x32xf32, #tpu.memory_space<vmem>>) offsets(%dma_start3A_3 : memref<1664xi32, #tpu.memory_space<vmem>>) semaphore(%arg8 : memref<!tpu.dma_semaphore, #tpu.memory_space<semaphore_mem>>)
    %dma_start3A_7 = arith.constant 1664 : i32
    %dma_start3A_8 = tpu.memref_slice %arg5[%dma_start3A_7] : memref<13312xi32, #tpu.memory_space<vmem>> -> memref<1664xi32, #tpu.memory_space<vmem>>
    %dma_start3A_9 = arith.constant 0 : i32
    %dma_start3A_10 = arith.constant 0 : i32
    %dma_start3A_11 = tpu.memref_slice %arg3[%dma_start3A_9, %dma_start3A_10] : memref<1000000x32xf32, #tpu.memory_space<hbm>> -> memref<1000000x32xf32, #tpu.memory_space<hbm>>
    tpu.enqueue_indirect_dma source(%dma_start3A_11 : memref<1000000x32xf32, #tpu.memory_space<hbm>>) target(%arg7 : memref<1664x32xf32, #tpu.memory_space<vmem>>) offsets(%dma_start3A_8 : memref<1664xi32, #tpu.memory_space<vmem>>) semaphore(%arg9 : memref<!tpu.dma_semaphore, #tpu.memory_space<semaphore_mem>>)
    %dma_wait3A = arith.constant 0 : i32
    %dma_wait3A_12 = tpu.memref_slice %arg5[%dma_wait3A] : memref<13312xi32, #tpu.memory_space<vmem>> -> memref<1664xi32, #tpu.memory_space<vmem>>
    %dma_wait3A_13 = arith.constant 0 : i32
    %dma_wait3A_14 = arith.constant 0 : i32
    %dma_wait3A_15 = tpu.memref_slice %arg3[%dma_wait3A_13, %dma_wait3A_14] : memref<1000000x32xf32, #tpu.memory_space<hbm>> -> memref<1000000x32xf32, #tpu.memory_space<hbm>>
    tpu.wait_indirect_dma semaphore(%arg8 : memref<!tpu.dma_semaphore, #tpu.memory_space<semaphore_mem>>) src(%dma_wait3A_15 : memref<1000000x32xf32, #tpu.memory_space<hbm>>) dst(%arg6 : memref<1664x32xf32, #tpu.memory_space<vmem>>)
    %parallel_loop3A = arith.constant 0 : i32
    %parallel_loop3A_16 = arith.constant 1664 : i32
    %parallel_loop3A_17 = arith.constant 1 : i32
    scf.for %parallel_loop3A_120 = %parallel_loop3A to %parallel_loop3A_16 step %parallel_loop3A_17  : i32 {
      %parallel_loop3A_121 = arith.index_cast %parallel_loop3A_120 : i32 to index
      %parallel_loop3A_122 = arith.constant 0 : index
      %parallel_loop3A_123 = tpu.vector_load %arg6[%parallel_loop3A_121, %parallel_loop3A_122] {strides = array<i32>} : memref<1664x32xf32, #tpu.memory_space<vmem>>, vector<1x16xf32>,
      %parallel_loop3A_124 = vector.shape_cast %parallel_loop3A_123 : vector<1x16xf32> to vector<16xf32>
      %parallel_loop3A_125 = arith.constant 1.000000e+01 : f32
      %parallel_loop3A_126 = vector.broadcast %parallel_loop3A_125 : f32 to vector<16xf32>
      %parallel_loop3A_127 = arith.mulf %parallel_loop3A_124, %parallel_loop3A_126 : vector<16xf32>
      %parallel_loop3A_128 = arith.index_cast %parallel_loop3A_120 : i32 to index
      %parallel_loop3A_129 = arith.constant 0 : index
      %parallel_loop3A_130 = tpu.vector_load %arg6[%parallel_loop3A_128, %parallel_loop3A_129] {strides = array<i32>} : memref<1664x32xf32, #tpu.memory_space<vmem>>, vector<1x16xf32>,
      %parallel_loop3A_131 = vector.shape_cast %parallel_loop3A_130 : vector<1x16xf32> to vector<16xf32>
      %parallel_loop3A_132 = vector.shape_cast %parallel_loop3A_127 : vector<16xf32> to vector<1x16xf32>
      tpu.vector_store %arg6[%parallel_loop3A_128, %parallel_loop3A_129], %parallel_loop3A_132 {strides = array<i32>} : memref<1664x32xf32, #tpu.memory_space<vmem>>, vector<1x16xf32>,
      %parallel_loop3A_133 = arith.index_cast %parallel_loop3A_120 : i32 to index
      %parallel_loop3A_134 = arith.constant 16 : index
      %parallel_loop3A_135 = tpu.vector_load %arg6[%parallel_loop3A_133, %parallel_loop3A_134] {strides = array<i32>} : memref<1664x32xf32, #tpu.memory_space<vmem>>, vector<1x16xf32>,
      %parallel_loop3A_136 = vector.shape_cast %parallel_loop3A_135 : vector<1x16xf32> to vector<16xf32>
      %parallel_loop3A_137 = arith.constant 1.000000e+01 : f32
      %parallel_loop3A_138 = vector.broadcast %parallel_loop3A_137 : f32 to vector<16xf32>
      %parallel_loop3A_139 = arith.mulf %parallel_loop3A_136, %parallel_loop3A_138 : vector<16xf32>
      %parallel_loop3A_140 = arith.index_cast %parallel_loop3A_120 : i32 to index
      %parallel_loop3A_141 = arith.constant 16 : index
      %parallel_loop3A_142 = tpu.vector_load %arg6[%parallel_loop3A_140, %parallel_loop3A_141] {strides = array<i32>} : memref<1664x32xf32, #tpu.memory_space<vmem>>, vector<1x16xf32>,
      %parallel_loop3A_143 = vector.shape_cast %parallel_loop3A_142 : vector<1x16xf32> to vector<16xf32>
      %parallel_loop3A_144 = vector.shape_cast %parallel_loop3A_139 : vector<16xf32> to vector<1x16xf32>
      tpu.vector_store %arg6[%parallel_loop3A_140, %parallel_loop3A_141], %parallel_loop3A_144 {strides = array<i32>} : memref<1664x32xf32, #tpu.memory_space<vmem>>, vector<1x16xf32>,
    } {sc.loop_unroll_factor = 8 : i64, sc.parallel_access}
    %add3A_18 = arith.constant 0 : i32
    %add3A_19 = arith.addi %mul3A_2, %add3A_18 : i32
    "tpu.region"() ({
      %run_scoped3A = tpu.sem_alloc : memref<!tpu.dma_semaphore, #tpu.memory_space<semaphore_mem>>
      %dma_start3A_120 = arith.constant 0 : i32
      %dma_start3A_121 = tpu.memref_slice %arg4[%add3A_19, %dma_start3A_120] : memref<425984x32xf32, #tpu.memory_space<hbm>> -> memref<1664x32xf32, #tpu.memory_space<hbm>>
      %dma_start3A_122 = arith.constant 0 : i32
      %dma_start3A_123 = tpu.memref_slice %arg4[%add3A_19, %dma_start3A_122] : memref<425984x32xf32, #tpu.memory_space<hbm>> -> memref<1664x32xf32, #tpu.memory_space<hbm>>
      tpu.enqueue_dma source(%arg6 : memref<1664x32xf32, #tpu.memory_space<vmem>>) target(%dma_start3A_123 : memref<1664x32xf32, #tpu.memory_space<hbm>>) target_semaphore(%run_scoped3A : memref<!tpu.dma_semaphore, #tpu.memory_space<semaphore_mem>>)
      %dma_wait3A_124 = arith.constant 0 : i32
      %dma_wait3A_125 = tpu.memref_slice %arg4[%add3A_19, %dma_wait3A_124] : memref<425984x32xf32, #tpu.memory_space<hbm>> -> memref<1664x32xf32, #tpu.memory_space<hbm>>
      %dma_wait3A_126 = arith.constant 0 : i32
      %dma_wait3A_127 = tpu.memref_slice %arg4[%add3A_19, %dma_wait3A_126] : memref<425984x32xf32, #tpu.memory_space<hbm>> -> memref<1664x32xf32, #tpu.memory_space<hbm>>
      tpu.wait_dma2 semaphore(%run_scoped3A : memref<!tpu.dma_semaphore, #tpu.memory_space<semaphore_mem>>) src(%arg6 : memref<1664x32xf32, #tpu.memory_space<vmem>>) dst(%dma_wait3A_127 : memref<1664x32xf32, #tpu.memory_space<hbm>>)
      tpu.yield
    }) : () -> ()
    %dma_start3A_20 = arith.constant 3328 : i32
    %dma_start3A_21 = tpu.memref_slice %arg5[%dma_start3A_20] : memref<13312xi32, #tpu.memory_space<vmem>> -> memref<1664xi32, #tpu.memory_space<vmem>>
    %dma_start3A_22 = arith.constant 0 : i32
    %dma_start3A_23 = arith.constant 0 : i32
    %dma_start3A_24 = tpu.memref_slice %arg3[%dma_start3A_22, %dma_start3A_23] : memref<1000000x32xf32, #tpu.memory_space<hbm>> -> memref<1000000x32xf32, #tpu.memory_space<hbm>>
    tpu.enqueue_indirect_dma source(%dma_start3A_24 : memref<1000000x32xf32, #tpu.memory_space<hbm>>) target(%arg6 : memref<1664x32xf32, #tpu.memory_space<vmem>>) offsets(%dma_start3A_21 : memref<1664xi32, #tpu.memory_space<vmem>>) semaphore(%arg8 : memref<!tpu.dma_semaphore, #tpu.memory_space<semaphore_mem>>)
    %dma_wait3A_25 = arith.constant 1664 : i32
    %dma_wait3A_26 = tpu.memref_slice %arg5[%dma_wait3A_25] : memref<13312xi32, #tpu.memory_space<vmem>> -> memref<1664xi32, #tpu.memory_space<vmem>>
    %dma_wait3A_27 = arith.constant 0 : i32
    %dma_wait3A_28 = arith.constant 0 : i32
    %dma_wait3A_29 = tpu.memref_slice %arg3[%dma_wait3A_27, %dma_wait3A_28] : memref<1000000x32xf32, #tpu.memory_space<hbm>> -> memref<1000000x32xf32, #tpu.memory_space<hbm>>
    tpu.wait_indirect_dma semaphore(%arg9 : memref<!tpu.dma_semaphore, #tpu.memory_space<semaphore_mem>>) src(%dma_wait3A_29 : memref<1000000x32xf32, #tpu.memory_space<hbm>>) dst(%arg7 : memref<1664x32xf32, #tpu.memory_space<vmem>>)
    %parallel_loop3A_30 = arith.constant 0 : i32
    %parallel_loop3A_31 = arith.constant 1664 : i32
    %parallel_loop3A_32 = arith.constant 1 : i32
    scf.for %parallel_loop3A_120 = %parallel_loop3A_30 to %parallel_loop3A_31 step %parallel_loop3A_32  : i32 {
      %parallel_loop3A_121 = arith.index_cast %parallel_loop3A_120 : i32 to index
      %parallel_loop3A_122 = arith.constant 0 : index
      %parallel_loop3A_123 = tpu.vector_load %arg7[%parallel_loop3A_121, %parallel_loop3A_122] {strides = array<i32>} : memref<1664x32xf32, #tpu.memory_space<vmem>>, vector<1x16xf32>,
      %parallel_loop3A_124 = vector.shape_cast %parallel_loop3A_123 : vector<1x16xf32> to vector<16xf32>
      %parallel_loop3A_125 = arith.constant 1.000000e+01 : f32
      %parallel_loop3A_126 = vector.broadcast %parallel_loop3A_125 : f32 to vector<16xf32>
      %parallel_loop3A_127 = arith.mulf %parallel_loop3A_124, %parallel_loop3A_126 : vector<16xf32>
      %parallel_loop3A_128 = arith.index_cast %parallel_loop3A_120 : i32 to index
      %parallel_loop3A_129 = arith.constant 0 : index
      %parallel_loop3A_130 = tpu.vector_load %arg7[%parallel_loop3A_128, %parallel_loop3A_129] {strides = array<i32>} : memref<1664x32xf32, #tpu.memory_space<vmem>>, vector<1x16xf32>,
      %parallel_loop3A_131 = vector.shape_cast %parallel_loop3A_130 : vector<1x16xf32> to vector<16xf32>
      %parallel_loop3A_132 = vector.shape_cast %parallel_loop3A_127 : vector<16xf32> to vector<1x16xf32>
      tpu.vector_store %arg7[%parallel_loop3A_128, %parallel_loop3A_129], %parallel_loop3A_132 {strides = array<i32>} : memref<1664x32xf32, #tpu.memory_space<vmem>>, vector<1x16xf32>,
      %parallel_loop3A_133 = arith.index_cast %parallel_loop3A_120 : i32 to index
      %parallel_loop3A_134 = arith.constant 16 : index
      %parallel_loop3A_135 = tpu.vector_load %arg7[%parallel_loop3A_133, %parallel_loop3A_134] {strides = array<i32>} : memref<1664x32xf32, #tpu.memory_space<vmem>>, vector<1x16xf32>,
      %parallel_loop3A_136 = vector.shape_cast %parallel_loop3A_135 : vector<1x16xf32> to vector<16xf32>
      %parallel_loop3A_137 = arith.constant 1.000000e+01 : f32
      %parallel_loop3A_138 = vector.broadcast %parallel_loop3A_137 : f32 to vector<16xf32>
      %parallel_loop3A_139 = arith.mulf %parallel_loop3A_136, %parallel_loop3A_138 : vector<16xf32>
      %parallel_loop3A_140 = arith.index_cast %parallel_loop3A_120 : i32 to index
      %parallel_loop3A_141 = arith.constant 16 : index
      %parallel_loop3A_142 = tpu.vector_load %arg7[%parallel_loop3A_140, %parallel_loop3A_141] {strides = array<i32>} : memref<1664x32xf32, #tpu.memory_space<vmem>>, vector<1x16xf32>,
      %parallel_loop3A_143 = vector.shape_cast %parallel_loop3A_142 : vector<1x16xf32> to vector<16xf32>
      %parallel_loop3A_144 = vector.shape_cast %parallel_loop3A_139 : vector<16xf32> to vector<1x16xf32>
      tpu.vector_store %arg7[%parallel_loop3A_140, %parallel_loop3A_141], %parallel_loop3A_144 {strides = array<i32>} : memref<1664x32xf32, #tpu.memory_space<vmem>>, vector<1x16xf32>,
    } {sc.loop_unroll_factor = 8 : i64, sc.parallel_access}
    %add3A_33 = arith.constant 1664 : i32
    %add3A_34 = arith.addi %mul3A_2, %add3A_33 : i32
    "tpu.region"() ({
      %run_scoped3A = tpu.sem_alloc : memref<!tpu.dma_semaphore, #tpu.memory_space<semaphore_mem>>
      %dma_start3A_120 = arith.constant 0 : i32
      %dma_start3A_121 = tpu.memref_slice %arg4[%add3A_34, %dma_start3A_120] : memref<425984x32xf32, #tpu.memory_space<hbm>> -> memref<1664x32xf32, #tpu.memory_space<hbm>>
      %dma_start3A_122 = arith.constant 0 : i32
      %dma_start3A_123 = tpu.memref_slice %arg4[%add3A_34, %dma_start3A_122] : memref<425984x32xf32, #tpu.memory_space<hbm>> -> memref<1664x32xf32, #tpu.memory_space<hbm>>
      tpu.enqueue_dma source(%arg7 : memref<1664x32xf32, #tpu.memory_space<vmem>>) target(%dma_start3A_123 : memref<1664x32xf32, #tpu.memory_space<hbm>>) target_semaphore(%run_scoped3A : memref<!tpu.dma_semaphore, #tpu.memory_space<semaphore_mem>>)
      %dma_wait3A_124 = arith.constant 0 : i32
      %dma_wait3A_125 = tpu.memref_slice %arg4[%add3A_34, %dma_wait3A_124] : memref<425984x32xf32, #tpu.memory_space<hbm>> -> memref<1664x32xf32, #tpu.memory_space<hbm>>
      %dma_wait3A_126 = arith.constant 0 : i32
      %dma_wait3A_127 = tpu.memref_slice %arg4[%add3A_34, %dma_wait3A_126] : memref<425984x32xf32, #tpu.memory_space<hbm>> -> memref<1664x32xf32, #tpu.memory_space<hbm>>
      tpu.wait_dma2 semaphore(%run_scoped3A : memref<!tpu.dma_semaphore, #tpu.memory_space<semaphore_mem>>) src(%arg7 : memref<1664x32xf32, #tpu.memory_space<vmem>>) dst(%dma_wait3A_127 : memref<1664x32xf32, #tpu.memory_space<hbm>>)
      tpu.yield
    }) : () -> ()
    %dma_start3A_35 = arith.constant 4992 : i32
    %dma_start3A_36 = tpu.memref_slice %arg5[%dma_start3A_35] : memref<13312xi32, #tpu.memory_space<vmem>> -> memref<1664xi32, #tpu.memory_space<vmem>>
    %dma_start3A_37 = arith.constant 0 : i32
    %dma_start3A_38 = arith.constant 0 : i32
    %dma_start3A_39 = tpu.memref_slice %arg3[%dma_start3A_37, %dma_start3A_38] : memref<1000000x32xf32, #tpu.memory_space<hbm>> -> memref<1000000x32xf32, #tpu.memory_space<hbm>>
    tpu.enqueue_indirect_dma source(%dma_start3A_39 : memref<1000000x32xf32, #tpu.memory_space<hbm>>) target(%arg7 : memref<1664x32xf32, #tpu.memory_space<vmem>>) offsets(%dma_start3A_36 : memref<1664xi32, #tpu.memory_space<vmem>>) semaphore(%arg9 : memref<!tpu.dma_semaphore, #tpu.memory_space<semaphore_mem>>)
    %dma_wait3A_40 = arith.constant 3328 : i32
    %dma_wait3A_41 = tpu.memref_slice %arg5[%dma_wait3A_40] : memref<13312xi32, #tpu.memory_space<vmem>> -> memref<1664xi32, #tpu.memory_space<vmem>>
    %dma_wait3A_42 = arith.constant 0 : i32
    %dma_wait3A_43 = arith.constant 0 : i32
    %dma_wait3A_44 = tpu.memref_slice %arg3[%dma_wait3A_42, %dma_wait3A_43] : memref<1000000x32xf32, #tpu.memory_space<hbm>> -> memref<1000000x32xf32, #tpu.memory_space<hbm>>
    tpu.wait_indirect_dma semaphore(%arg8 : memref<!tpu.dma_semaphore, #tpu.memory_space<semaphore_mem>>) src(%dma_wait3A_44 : memref<1000000x32xf32, #tpu.memory_space<hbm>>) dst(%arg6 : memref<1664x32xf32, #tpu.memory_space<vmem>>)
    %parallel_loop3A_45 = arith.constant 0 : i32
    %parallel_loop3A_46 = arith.constant 1664 : i32
    %parallel_loop3A_47 = arith.constant 1 : i32
    scf.for %parallel_loop3A_120 = %parallel_loop3A_45 to %parallel_loop3A_46 step %parallel_loop3A_47  : i32 {
      %parallel_loop3A_121 = arith.index_cast %parallel_loop3A_120 : i32 to index
      %parallel_loop3A_122 = arith.constant 0 : index
      %parallel_loop3A_123 = tpu.vector_load %arg6[%parallel_loop3A_121, %parallel_loop3A_122] {strides = array<i32>} : memref<1664x32xf32, #tpu.memory_space<vmem>>, vector<1x16xf32>,
      %parallel_loop3A_124 = vector.shape_cast %parallel_loop3A_123 : vector<1x16xf32> to vector<16xf32>
      %parallel_loop3A_125 = arith.constant 1.000000e+01 : f32
      %parallel_loop3A_126 = vector.broadcast %parallel_loop3A_125 : f32 to vector<16xf32>
      %parallel_loop3A_127 = arith.mulf %parallel_loop3A_124, %parallel_loop3A_126 : vector<16xf32>
      %parallel_loop3A_128 = arith.index_cast %parallel_loop3A_120 : i32 to index
      %parallel_loop3A_129 = arith.constant 0 : index
      %parallel_loop3A_130 = tpu.vector_load %arg6[%parallel_loop3A_128, %parallel_loop3A_129] {strides = array<i32>} : memref<1664x32xf32, #tpu.memory_space<vmem>>, vector<1x16xf32>,
      %parallel_loop3A_131 = vector.shape_cast %parallel_loop3A_130 : vector<1x16xf32> to vector<16xf32>
      %parallel_loop3A_132 = vector.shape_cast %parallel_loop3A_127 : vector<16xf32> to vector<1x16xf32>
      tpu.vector_store %arg6[%parallel_loop3A_128, %parallel_loop3A_129], %parallel_loop3A_132 {strides = array<i32>} : memref<1664x32xf32, #tpu.memory_space<vmem>>, vector<1x16xf32>,
      %parallel_loop3A_133 = arith.index_cast %parallel_loop3A_120 : i32 to index
      %parallel_loop3A_134 = arith.constant 16 : index
      %parallel_loop3A_135 = tpu.vector_load %arg6[%parallel_loop3A_133, %parallel_loop3A_134] {strides = array<i32>} : memref<1664x32xf32, #tpu.memory_space<vmem>>, vector<1x16xf32>,
      %parallel_loop3A_136 = vector.shape_cast %parallel_loop3A_135 : vector<1x16xf32> to vector<16xf32>
      %parallel_loop3A_137 = arith.constant 1.000000e+01 : f32
      %parallel_loop3A_138 = vector.broadcast %parallel_loop3A_137 : f32 to vector<16xf32>
      %parallel_loop3A_139 = arith.mulf %parallel_loop3A_136, %parallel_loop3A_138 : vector<16xf32>
      %parallel_loop3A_140 = arith.index_cast %parallel_loop3A_120 : i32 to index
      %parallel_loop3A_141 = arith.constant 16 : index
      %parallel_loop3A_142 = tpu.vector_load %arg6[%parallel_loop3A_140, %parallel_loop3A_141] {strides = array<i32>} : memref<1664x32xf32, #tpu.memory_space<vmem>>, vector<1x16xf32>,
      %parallel_loop3A_143 = vector.shape_cast %parallel_loop3A_142 : vector<1x16xf32> to vector<16xf32>
      %parallel_loop3A_144 = vector.shape_cast %parallel_loop3A_139 : vector<16xf32> to vector<1x16xf32>
      tpu.vector_store %arg6[%parallel_loop3A_140, %parallel_loop3A_141], %parallel_loop3A_144 {strides = array<i32>} : memref<1664x32xf32, #tpu.memory_space<vmem>>, vector<1x16xf32>,
    } {sc.loop_unroll_factor = 8 : i64, sc.parallel_access}
    %add3A_48 = arith.constant 3328 : i32
    %add3A_49 = arith.addi %mul3A_2, %add3A_48 : i32
    "tpu.region"() ({
      %run_scoped3A = tpu.sem_alloc : memref<!tpu.dma_semaphore, #tpu.memory_space<semaphore_mem>>
      %dma_start3A_120 = arith.constant 0 : i32
      %dma_start3A_121 = tpu.memref_slice %arg4[%add3A_49, %dma_start3A_120] : memref<425984x32xf32, #tpu.memory_space<hbm>> -> memref<1664x32xf32, #tpu.memory_space<hbm>>
      %dma_start3A_122 = arith.constant 0 : i32
      %dma_start3A_123 = tpu.memref_slice %arg4[%add3A_49, %dma_start3A_122] : memref<425984x32xf32, #tpu.memory_space<hbm>> -> memref<1664x32xf32, #tpu.memory_space<hbm>>
      tpu.enqueue_dma source(%arg6 : memref<1664x32xf32, #tpu.memory_space<vmem>>) target(%dma_start3A_123 : memref<1664x32xf32, #tpu.memory_space<hbm>>) target_semaphore(%run_scoped3A : memref<!tpu.dma_semaphore, #tpu.memory_space<semaphore_mem>>)
      %dma_wait3A_124 = arith.constant 0 : i32
      %dma_wait3A_125 = tpu.memref_slice %arg4[%add3A_49, %dma_wait3A_124] : memref<425984x32xf32, #tpu.memory_space<hbm>> -> memref<1664x32xf32, #tpu.memory_space<hbm>>
      %dma_wait3A_126 = arith.constant 0 : i32
      %dma_wait3A_127 = tpu.memref_slice %arg4[%add3A_49, %dma_wait3A_126] : memref<425984x32xf32, #tpu.memory_space<hbm>> -> memref<1664x32xf32, #tpu.memory_space<hbm>>
      tpu.wait_dma2 semaphore(%run_scoped3A : memref<!tpu.dma_semaphore, #tpu.memory_space<semaphore_mem>>) src(%arg6 : memref<1664x32xf32, #tpu.memory_space<vmem>>) dst(%dma_wait3A_127 : memref<1664x32xf32, #tpu.memory_space<hbm>>)
      tpu.yield
    }) : () -> ()
    %dma_start3A_50 = arith.constant 6656 : i32
    %dma_start3A_51 = tpu.memref_slice %arg5[%dma_start3A_50] : memref<13312xi32, #tpu.memory_space<vmem>> -> memref<1664xi32, #tpu.memory_space<vmem>>
    %dma_start3A_52 = arith.constant 0 : i32
    %dma_start3A_53 = arith.constant 0 : i32
    %dma_start3A_54 = tpu.memref_slice %arg3[%dma_start3A_52, %dma_start3A_53] : memref<1000000x32xf32, #tpu.memory_space<hbm>> -> memref<1000000x32xf32, #tpu.memory_space<hbm>>
    tpu.enqueue_indirect_dma source(%dma_start3A_54 : memref<1000000x32xf32, #tpu.memory_space<hbm>>) target(%arg6 : memref<1664x32xf32, #tpu.memory_space<vmem>>) offsets(%dma_start3A_51 : memref<1664xi32, #tpu.memory_space<vmem>>) semaphore(%arg8 : memref<!tpu.dma_semaphore, #tpu.memory_space<semaphore_mem>>)
    %dma_wait3A_55 = arith.constant 4992 : i32
    %dma_wait3A_56 = tpu.memref_slice %arg5[%dma_wait3A_55] : memref<13312xi32, #tpu.memory_space<vmem>> -> memref<1664xi32, #tpu.memory_space<vmem>>
    %dma_wait3A_57 = arith.constant 0 : i32
    %dma_wait3A_58 = arith.constant 0 : i32
    %dma_wait3A_59 = tpu.memref_slice %arg3[%dma_wait3A_57, %dma_wait3A_58] : memref<1000000x32xf32, #tpu.memory_space<hbm>> -> memref<1000000x32xf32, #tpu.memory_space<hbm>>
    tpu.wait_indirect_dma semaphore(%arg9 : memref<!tpu.dma_semaphore, #tpu.memory_space<semaphore_mem>>) src(%dma_wait3A_59 : memref<1000000x32xf32, #tpu.memory_space<hbm>>) dst(%arg7 : memref<1664x32xf32, #tpu.memory_space<vmem>>)
    %parallel_loop3A_60 = arith.constant 0 : i32
    %parallel_loop3A_61 = arith.constant 1664 : i32
    %parallel_loop3A_62 = arith.constant 1 : i32
    scf.for %parallel_loop3A_120 = %parallel_loop3A_60 to %parallel_loop3A_61 step %parallel_loop3A_62  : i32 {
      %parallel_loop3A_121 = arith.index_cast %parallel_loop3A_120 : i32 to index
      %parallel_loop3A_122 = arith.constant 0 : index
      %parallel_loop3A_123 = tpu.vector_load %arg7[%parallel_loop3A_121, %parallel_loop3A_122] {strides = array<i32>} : memref<1664x32xf32, #tpu.memory_space<vmem>>, vector<1x16xf32>,
      %parallel_loop3A_124 = vector.shape_cast %parallel_loop3A_123 : vector<1x16xf32> to vector<16xf32>
      %parallel_loop3A_125 = arith.constant 1.000000e+01 : f32
      %parallel_loop3A_126 = vector.broadcast %parallel_loop3A_125 : f32 to vector<16xf32>
      %parallel_loop3A_127 = arith.mulf %parallel_loop3A_124, %parallel_loop3A_126 : vector<16xf32>
      %parallel_loop3A_128 = arith.index_cast %parallel_loop3A_120 : i32 to index
      %parallel_loop3A_129 = arith.constant 0 : index
      %parallel_loop3A_130 = tpu.vector_load %arg7[%parallel_loop3A_128, %parallel_loop3A_129] {strides = array<i32>} : memref<1664x32xf32, #tpu.memory_space<vmem>>, vector<1x16xf32>,
      %parallel_loop3A_131 = vector.shape_cast %parallel_loop3A_130 : vector<1x16xf32> to vector<16xf32>
      %parallel_loop3A_132 = vector.shape_cast %parallel_loop3A_127 : vector<16xf32> to vector<1x16xf32>
      tpu.vector_store %arg7[%parallel_loop3A_128, %parallel_loop3A_129], %parallel_loop3A_132 {strides = array<i32>} : memref<1664x32xf32, #tpu.memory_space<vmem>>, vector<1x16xf32>,
      %parallel_loop3A_133 = arith.index_cast %parallel_loop3A_120 : i32 to index
      %parallel_loop3A_134 = arith.constant 16 : index
      %parallel_loop3A_135 = tpu.vector_load %arg7[%parallel_loop3A_133, %parallel_loop3A_134] {strides = array<i32>} : memref<1664x32xf32, #tpu.memory_space<vmem>>, vector<1x16xf32>,
      %parallel_loop3A_136 = vector.shape_cast %parallel_loop3A_135 : vector<1x16xf32> to vector<16xf32>
      %parallel_loop3A_137 = arith.constant 1.000000e+01 : f32
      %parallel_loop3A_138 = vector.broadcast %parallel_loop3A_137 : f32 to vector<16xf32>
      %parallel_loop3A_139 = arith.mulf %parallel_loop3A_136, %parallel_loop3A_138 : vector<16xf32>
      %parallel_loop3A_140 = arith.index_cast %parallel_loop3A_120 : i32 to index
      %parallel_loop3A_141 = arith.constant 16 : index
      %parallel_loop3A_142 = tpu.vector_load %arg7[%parallel_loop3A_140, %parallel_loop3A_141] {strides = array<i32>} : memref<1664x32xf32, #tpu.memory_space<vmem>>, vector<1x16xf32>,
      %parallel_loop3A_143 = vector.shape_cast %parallel_loop3A_142 : vector<1x16xf32> to vector<16xf32>
      %parallel_loop3A_144 = vector.shape_cast %parallel_loop3A_139 : vector<16xf32> to vector<1x16xf32>
      tpu.vector_store %arg7[%parallel_loop3A_140, %parallel_loop3A_141], %parallel_loop3A_144 {strides = array<i32>} : memref<1664x32xf32, #tpu.memory_space<vmem>>, vector<1x16xf32>,
    } {sc.loop_unroll_factor = 8 : i64, sc.parallel_access}
    %add3A_63 = arith.constant 4992 : i32
    %add3A_64 = arith.addi %mul3A_2, %add3A_63 : i32
    "tpu.region"() ({
      %run_scoped3A = tpu.sem_alloc : memref<!tpu.dma_semaphore, #tpu.memory_space<semaphore_mem>>
      %dma_start3A_120 = arith.constant 0 : i32
      %dma_start3A_121 = tpu.memref_slice %arg4[%add3A_64, %dma_start3A_120] : memref<425984x32xf32, #tpu.memory_space<hbm>> -> memref<1664x32xf32, #tpu.memory_space<hbm>>
      %dma_start3A_122 = arith.constant 0 : i32
      %dma_start3A_123 = tpu.memref_slice %arg4[%add3A_64, %dma_start3A_122] : memref<425984x32xf32, #tpu.memory_space<hbm>> -> memref<1664x32xf32, #tpu.memory_space<hbm>>
      tpu.enqueue_dma source(%arg7 : memref<1664x32xf32, #tpu.memory_space<vmem>>) target(%dma_start3A_123 : memref<1664x32xf32, #tpu.memory_space<hbm>>) target_semaphore(%run_scoped3A : memref<!tpu.dma_semaphore, #tpu.memory_space<semaphore_mem>>)
      %dma_wait3A_124 = arith.constant 0 : i32
      %dma_wait3A_125 = tpu.memref_slice %arg4[%add3A_64, %dma_wait3A_124] : memref<425984x32xf32, #tpu.memory_space<hbm>> -> memref<1664x32xf32, #tpu.memory_space<hbm>>
      %dma_wait3A_126 = arith.constant 0 : i32
      %dma_wait3A_127 = tpu.memref_slice %arg4[%add3A_64, %dma_wait3A_126] : memref<425984x32xf32, #tpu.memory_space<hbm>> -> memref<1664x32xf32, #tpu.memory_space<hbm>>
      tpu.wait_dma2 semaphore(%run_scoped3A : memref<!tpu.dma_semaphore, #tpu.memory_space<semaphore_mem>>) src(%arg7 : memref<1664x32xf32, #tpu.memory_space<vmem>>) dst(%dma_wait3A_127 : memref<1664x32xf32, #tpu.memory_space<hbm>>)
      tpu.yield
    }) : () -> ()
    %dma_start3A_65 = arith.constant 8320 : i32
    %dma_start3A_66 = tpu.memref_slice %arg5[%dma_start3A_65] : memref<13312xi32, #tpu.memory_space<vmem>> -> memref<1664xi32, #tpu.memory_space<vmem>>
    %dma_start3A_67 = arith.constant 0 : i32
    %dma_start3A_68 = arith.constant 0 : i32
    %dma_start3A_69 = tpu.memref_slice %arg3[%dma_start3A_67, %dma_start3A_68] : memref<1000000x32xf32, #tpu.memory_space<hbm>> -> memref<1000000x32xf32, #tpu.memory_space<hbm>>
    tpu.enqueue_indirect_dma source(%dma_start3A_69 : memref<1000000x32xf32, #tpu.memory_space<hbm>>) target(%arg7 : memref<1664x32xf32, #tpu.memory_space<vmem>>) offsets(%dma_start3A_66 : memref<1664xi32, #tpu.memory_space<vmem>>) semaphore(%arg9 : memref<!tpu.dma_semaphore, #tpu.memory_space<semaphore_mem>>)
    %dma_wait3A_70 = arith.constant 6656 : i32
    %dma_wait3A_71 = tpu.memref_slice %arg5[%dma_wait3A_70] : memref<13312xi32, #tpu.memory_space<vmem>> -> memref<1664xi32, #tpu.memory_space<vmem>>
    %dma_wait3A_72 = arith.constant 0 : i32
    %dma_wait3A_73 = arith.constant 0 : i32
    %dma_wait3A_74 = tpu.memref_slice %arg3[%dma_wait3A_72, %dma_wait3A_73] : memref<1000000x32xf32, #tpu.memory_space<hbm>> -> memref<1000000x32xf32, #tpu.memory_space<hbm>>
    tpu.wait_indirect_dma semaphore(%arg8 : memref<!tpu.dma_semaphore, #tpu.memory_space<semaphore_mem>>) src(%dma_wait3A_74 : memref<1000000x32xf32, #tpu.memory_space<hbm>>) dst(%arg6 : memref<1664x32xf32, #tpu.memory_space<vmem>>)
    %parallel_loop3A_75 = arith.constant 0 : i32
    %parallel_loop3A_76 = arith.constant 1664 : i32
    %parallel_loop3A_77 = arith.constant 1 : i32
    scf.for %parallel_loop3A_120 = %parallel_loop3A_75 to %parallel_loop3A_76 step %parallel_loop3A_77  : i32 {
      %parallel_loop3A_121 = arith.index_cast %parallel_loop3A_120 : i32 to index
      %parallel_loop3A_122 = arith.constant 0 : index
      %parallel_loop3A_123 = tpu.vector_load %arg6[%parallel_loop3A_121, %parallel_loop3A_122] {strides = array<i32>} : memref<1664x32xf32, #tpu.memory_space<vmem>>, vector<1x16xf32>,
      %parallel_loop3A_124 = vector.shape_cast %parallel_loop3A_123 : vector<1x16xf32> to vector<16xf32>
      %parallel_loop3A_125 = arith.constant 1.000000e+01 : f32
      %parallel_loop3A_126 = vector.broadcast %parallel_loop3A_125 : f32 to vector<16xf32>
      %parallel_loop3A_127 = arith.mulf %parallel_loop3A_124, %parallel_loop3A_126 : vector<16xf32>
      %parallel_loop3A_128 = arith.index_cast %parallel_loop3A_120 : i32 to index
      %parallel_loop3A_129 = arith.constant 0 : index
      %parallel_loop3A_130 = tpu.vector_load %arg6[%parallel_loop3A_128, %parallel_loop3A_129] {strides = array<i32>} : memref<1664x32xf32, #tpu.memory_space<vmem>>, vector<1x16xf32>,
      %parallel_loop3A_131 = vector.shape_cast %parallel_loop3A_130 : vector<1x16xf32> to vector<16xf32>
      %parallel_loop3A_132 = vector.shape_cast %parallel_loop3A_127 : vector<16xf32> to vector<1x16xf32>
      tpu.vector_store %arg6[%parallel_loop3A_128, %parallel_loop3A_129], %parallel_loop3A_132 {strides = array<i32>} : memref<1664x32xf32, #tpu.memory_space<vmem>>, vector<1x16xf32>,
      %parallel_loop3A_133 = arith.index_cast %parallel_loop3A_120 : i32 to index
      %parallel_loop3A_134 = arith.constant 16 : index
      %parallel_loop3A_135 = tpu.vector_load %arg6[%parallel_loop3A_133, %parallel_loop3A_134] {strides = array<i32>} : memref<1664x32xf32, #tpu.memory_space<vmem>>, vector<1x16xf32>,
      %parallel_loop3A_136 = vector.shape_cast %parallel_loop3A_135 : vector<1x16xf32> to vector<16xf32>
      %parallel_loop3A_137 = arith.constant 1.000000e+01 : f32
      %parallel_loop3A_138 = vector.broadcast %parallel_loop3A_137 : f32 to vector<16xf32>
      %parallel_loop3A_139 = arith.mulf %parallel_loop3A_136, %parallel_loop3A_138 : vector<16xf32>
      %parallel_loop3A_140 = arith.index_cast %parallel_loop3A_120 : i32 to index
      %parallel_loop3A_141 = arith.constant 16 : index
      %parallel_loop3A_142 = tpu.vector_load %arg6[%parallel_loop3A_140, %parallel_loop3A_141] {strides = array<i32>} : memref<1664x32xf32, #tpu.memory_space<vmem>>, vector<1x16xf32>,
      %parallel_loop3A_143 = vector.shape_cast %parallel_loop3A_142 : vector<1x16xf32> to vector<16xf32>
      %parallel_loop3A_144 = vector.shape_cast %parallel_loop3A_139 : vector<16xf32> to vector<1x16xf32>
      tpu.vector_store %arg6[%parallel_loop3A_140, %parallel_loop3A_141], %parallel_loop3A_144 {strides = array<i32>} : memref<1664x32xf32, #tpu.memory_space<vmem>>, vector<1x16xf32>,
    } {sc.loop_unroll_factor = 8 : i64, sc.parallel_access}
    %add3A_78 = arith.constant 6656 : i32
    %add3A_79 = arith.addi %mul3A_2, %add3A_78 : i32
    "tpu.region"() ({
      %run_scoped3A = tpu.sem_alloc : memref<!tpu.dma_semaphore, #tpu.memory_space<semaphore_mem>>
      %dma_start3A_120 = arith.constant 0 : i32
      %dma_start3A_121 = tpu.memref_slice %arg4[%add3A_79, %dma_start3A_120] : memref<425984x32xf32, #tpu.memory_space<hbm>> -> memref<1664x32xf32, #tpu.memory_space<hbm>>
      %dma_start3A_122 = arith.constant 0 : i32
      %dma_start3A_123 = tpu.memref_slice %arg4[%add3A_79, %dma_start3A_122] : memref<425984x32xf32, #tpu.memory_space<hbm>> -> memref<1664x32xf32, #tpu.memory_space<hbm>>
      tpu.enqueue_dma source(%arg6 : memref<1664x32xf32, #tpu.memory_space<vmem>>) target(%dma_start3A_123 : memref<1664x32xf32, #tpu.memory_space<hbm>>) target_semaphore(%run_scoped3A : memref<!tpu.dma_semaphore, #tpu.memory_space<semaphore_mem>>)
      %dma_wait3A_124 = arith.constant 0 : i32
      %dma_wait3A_125 = tpu.memref_slice %arg4[%add3A_79, %dma_wait3A_124] : memref<425984x32xf32, #tpu.memory_space<hbm>> -> memref<1664x32xf32, #tpu.memory_space<hbm>>
      %dma_wait3A_126 = arith.constant 0 : i32
      %dma_wait3A_127 = tpu.memref_slice %arg4[%add3A_79, %dma_wait3A_126] : memref<425984x32xf32, #tpu.memory_space<hbm>> -> memref<1664x32xf32, #tpu.memory_space<hbm>>
      tpu.wait_dma2 semaphore(%run_scoped3A : memref<!tpu.dma_semaphore, #tpu.memory_space<semaphore_mem>>) src(%arg6 : memref<1664x32xf32, #tpu.memory_space<vmem>>) dst(%dma_wait3A_127 : memref<1664x32xf32, #tpu.memory_space<hbm>>)
      tpu.yield
    }) : () -> ()
    %dma_start3A_80 = arith.constant 9984 : i32
    %dma_start3A_81 = tpu.memref_slice %arg5[%dma_start3A_80] : memref<13312xi32, #tpu.memory_space<vmem>> -> memref<1664xi32, #tpu.memory_space<vmem>>
    %dma_start3A_82 = arith.constant 0 : i32
    %dma_start3A_83 = arith.constant 0 : i32
    %dma_start3A_84 = tpu.memref_slice %arg3[%dma_start3A_82, %dma_start3A_83] : memref<1000000x32xf32, #tpu.memory_space<hbm>> -> memref<1000000x32xf32, #tpu.memory_space<hbm>>
    tpu.enqueue_indirect_dma source(%dma_start3A_84 : memref<1000000x32xf32, #tpu.memory_space<hbm>>) target(%arg6 : memref<1664x32xf32, #tpu.memory_space<vmem>>) offsets(%dma_start3A_81 : memref<1664xi32, #tpu.memory_space<vmem>>) semaphore(%arg8 : memref<!tpu.dma_semaphore, #tpu.memory_space<semaphore_mem>>)
    %dma_wait3A_85 = arith.constant 8320 : i32
    %dma_wait3A_86 = tpu.memref_slice %arg5[%dma_wait3A_85] : memref<13312xi32, #tpu.memory_space<vmem>> -> memref<1664xi32, #tpu.memory_space<vmem>>
    %dma_wait3A_87 = arith.constant 0 : i32
    %dma_wait3A_88 = arith.constant 0 : i32
    %dma_wait3A_89 = tpu.memref_slice %arg3[%dma_wait3A_87, %dma_wait3A_88] : memref<1000000x32xf32, #tpu.memory_space<hbm>> -> memref<1000000x32xf32, #tpu.memory_space<hbm>>
    tpu.wait_indirect_dma semaphore(%arg9 : memref<!tpu.dma_semaphore, #tpu.memory_space<semaphore_mem>>) src(%dma_wait3A_89 : memref<1000000x32xf32, #tpu.memory_space<hbm>>) dst(%arg7 : memref<1664x32xf32, #tpu.memory_space<vmem>>)
    %parallel_loop3A_90 = arith.constant 0 : i32
    %parallel_loop3A_91 = arith.constant 1664 : i32
    %parallel_loop3A_92 = arith.constant 1 : i32
    scf.for %parallel_loop3A_120 = %parallel_loop3A_90 to %parallel_loop3A_91 step %parallel_loop3A_92  : i32 {
      %parallel_loop3A_121 = arith.index_cast %parallel_loop3A_120 : i32 to index
      %parallel_loop3A_122 = arith.constant 0 : index
      %parallel_loop3A_123 = tpu.vector_load %arg7[%parallel_loop3A_121, %parallel_loop3A_122] {strides = array<i32>} : memref<1664x32xf32, #tpu.memory_space<vmem>>, vector<1x16xf32>,
      %parallel_loop3A_124 = vector.shape_cast %parallel_loop3A_123 : vector<1x16xf32> to vector<16xf32>
      %parallel_loop3A_125 = arith.constant 1.000000e+01 : f32
      %parallel_loop3A_126 = vector.broadcast %parallel_loop3A_125 : f32 to vector<16xf32>
      %parallel_loop3A_127 = arith.mulf %parallel_loop3A_124, %parallel_loop3A_126 : vector<16xf32>
      %parallel_loop3A_128 = arith.index_cast %parallel_loop3A_120 : i32 to index
      %parallel_loop3A_129 = arith.constant 0 : index
      %parallel_loop3A_130 = tpu.vector_load %arg7[%parallel_loop3A_128, %parallel_loop3A_129] {strides = array<i32>} : memref<1664x32xf32, #tpu.memory_space<vmem>>, vector<1x16xf32>,
      %parallel_loop3A_131 = vector.shape_cast %parallel_loop3A_130 : vector<1x16xf32> to vector<16xf32>
      %parallel_loop3A_132 = vector.shape_cast %parallel_loop3A_127 : vector<16xf32> to vector<1x16xf32>
      tpu.vector_store %arg7[%parallel_loop3A_128, %parallel_loop3A_129], %parallel_loop3A_132 {strides = array<i32>} : memref<1664x32xf32, #tpu.memory_space<vmem>>, vector<1x16xf32>,
      %parallel_loop3A_133 = arith.index_cast %parallel_loop3A_120 : i32 to index
      %parallel_loop3A_134 = arith.constant 16 : index
      %parallel_loop3A_135 = tpu.vector_load %arg7[%parallel_loop3A_133, %parallel_loop3A_134] {strides = array<i32>} : memref<1664x32xf32, #tpu.memory_space<vmem>>, vector<1x16xf32>,
      %parallel_loop3A_136 = vector.shape_cast %parallel_loop3A_135 : vector<1x16xf32> to vector<16xf32>
      %parallel_loop3A_137 = arith.constant 1.000000e+01 : f32
      %parallel_loop3A_138 = vector.broadcast %parallel_loop3A_137 : f32 to vector<16xf32>
      %parallel_loop3A_139 = arith.mulf %parallel_loop3A_136, %parallel_loop3A_138 : vector<16xf32>
      %parallel_loop3A_140 = arith.index_cast %parallel_loop3A_120 : i32 to index
      %parallel_loop3A_141 = arith.constant 16 : index
      %parallel_loop3A_142 = tpu.vector_load %arg7[%parallel_loop3A_140, %parallel_loop3A_141] {strides = array<i32>} : memref<1664x32xf32, #tpu.memory_space<vmem>>, vector<1x16xf32>,
      %parallel_loop3A_143 = vector.shape_cast %parallel_loop3A_142 : vector<1x16xf32> to vector<16xf32>
      %parallel_loop3A_144 = vector.shape_cast %parallel_loop3A_139 : vector<16xf32> to vector<1x16xf32>
      tpu.vector_store %arg7[%parallel_loop3A_140, %parallel_loop3A_141], %parallel_loop3A_144 {strides = array<i32>} : memref<1664x32xf32, #tpu.memory_space<vmem>>, vector<1x16xf32>,
    } {sc.loop_unroll_factor = 8 : i64, sc.parallel_access}
    %add3A_93 = arith.constant 8320 : i32
    %add3A_94 = arith.addi %mul3A_2, %add3A_93 : i32
    "tpu.region"() ({
      %run_scoped3A = tpu.sem_alloc : memref<!tpu.dma_semaphore, #tpu.memory_space<semaphore_mem>>
      %dma_start3A_120 = arith.constant 0 : i32
      %dma_start3A_121 = tpu.memref_slice %arg4[%add3A_94, %dma_start3A_120] : memref<425984x32xf32, #tpu.memory_space<hbm>> -> memref<1664x32xf32, #tpu.memory_space<hbm>>
      %dma_start3A_122 = arith.constant 0 : i32
      %dma_start3A_123 = tpu.memref_slice %arg4[%add3A_94, %dma_start3A_122] : memref<425984x32xf32, #tpu.memory_space<hbm>> -> memref<1664x32xf32, #tpu.memory_space<hbm>>
      tpu.enqueue_dma source(%arg7 : memref<1664x32xf32, #tpu.memory_space<vmem>>) target(%dma_start3A_123 : memref<1664x32xf32, #tpu.memory_space<hbm>>) target_semaphore(%run_scoped3A : memref<!tpu.dma_semaphore, #tpu.memory_space<semaphore_mem>>)
      %dma_wait3A_124 = arith.constant 0 : i32
      %dma_wait3A_125 = tpu.memref_slice %arg4[%add3A_94, %dma_wait3A_124] : memref<425984x32xf32, #tpu.memory_space<hbm>> -> memref<1664x32xf32, #tpu.memory_space<hbm>>
      %dma_wait3A_126 = arith.constant 0 : i32
      %dma_wait3A_127 = tpu.memref_slice %arg4[%add3A_94, %dma_wait3A_126] : memref<425984x32xf32, #tpu.memory_space<hbm>> -> memref<1664x32xf32, #tpu.memory_space<hbm>>
      tpu.wait_dma2 semaphore(%run_scoped3A : memref<!tpu.dma_semaphore, #tpu.memory_space<semaphore_mem>>) src(%arg7 : memref<1664x32xf32, #tpu.memory_space<vmem>>) dst(%dma_wait3A_127 : memref<1664x32xf32, #tpu.memory_space<hbm>>)
      tpu.yield
    }) : () -> ()
    %dma_start3A_95 = arith.constant 11648 : i32
    %dma_start3A_96 = tpu.memref_slice %arg5[%dma_start3A_95] : memref<13312xi32, #tpu.memory_space<vmem>> -> memref<1664xi32, #tpu.memory_space<vmem>>
    %dma_start3A_97 = arith.constant 0 : i32
    %dma_start3A_98 = arith.constant 0 : i32
    %dma_start3A_99 = tpu.memref_slice %arg3[%dma_start3A_97, %dma_start3A_98] : memref<1000000x32xf32, #tpu.memory_space<hbm>> -> memref<1000000x32xf32, #tpu.memory_space<hbm>>
    tpu.enqueue_indirect_dma source(%dma_start3A_99 : memref<1000000x32xf32, #tpu.memory_space<hbm>>) target(%arg7 : memref<1664x32xf32, #tpu.memory_space<vmem>>) offsets(%dma_start3A_96 : memref<1664xi32, #tpu.memory_space<vmem>>) semaphore(%arg9 : memref<!tpu.dma_semaphore, #tpu.memory_space<semaphore_mem>>)
    %dma_wait3A_100 = arith.constant 9984 : i32
    %dma_wait3A_101 = tpu.memref_slice %arg5[%dma_wait3A_100] : memref<13312xi32, #tpu.memory_space<vmem>> -> memref<1664xi32, #tpu.memory_space<vmem>>
    %dma_wait3A_102 = arith.constant 0 : i32
    %dma_wait3A_103 = arith.constant 0 : i32
    %dma_wait3A_104 = tpu.memref_slice %arg3[%dma_wait3A_102, %dma_wait3A_103] : memref<1000000x32xf32, #tpu.memory_space<hbm>> -> memref<1000000x32xf32, #tpu.memory_space<hbm>>
    tpu.wait_indirect_dma semaphore(%arg8 : memref<!tpu.dma_semaphore, #tpu.memory_space<semaphore_mem>>) src(%dma_wait3A_104 : memref<1000000x32xf32, #tpu.memory_space<hbm>>) dst(%arg6 : memref<1664x32xf32, #tpu.memory_space<vmem>>)
    %parallel_loop3A_105 = arith.constant 0 : i32
    %parallel_loop3A_106 = arith.constant 1664 : i32
    %parallel_loop3A_107 = arith.constant 1 : i32
    scf.for %parallel_loop3A_120 = %parallel_loop3A_105 to %parallel_loop3A_106 step %parallel_loop3A_107  : i32 {
      %parallel_loop3A_121 = arith.index_cast %parallel_loop3A_120 : i32 to index
      %parallel_loop3A_122 = arith.constant 0 : index
      %parallel_loop3A_123 = tpu.vector_load %arg6[%parallel_loop3A_121, %parallel_loop3A_122] {strides = array<i32>} : memref<1664x32xf32, #tpu.memory_space<vmem>>, vector<1x16xf32>,
      %parallel_loop3A_124 = vector.shape_cast %parallel_loop3A_123 : vector<1x16xf32> to vector<16xf32>
      %parallel_loop3A_125 = arith.constant 1.000000e+01 : f32
      %parallel_loop3A_126 = vector.broadcast %parallel_loop3A_125 : f32 to vector<16xf32>
      %parallel_loop3A_127 = arith.mulf %parallel_loop3A_124, %parallel_loop3A_126 : vector<16xf32>
      %parallel_loop3A_128 = arith.index_cast %parallel_loop3A_120 : i32 to index
      %parallel_loop3A_129 = arith.constant 0 : index
      %parallel_loop3A_130 = tpu.vector_load %arg6[%parallel_loop3A_128, %parallel_loop3A_129] {strides = array<i32>} : memref<1664x32xf32, #tpu.memory_space<vmem>>, vector<1x16xf32>,
      %parallel_loop3A_131 = vector.shape_cast %parallel_loop3A_130 : vector<1x16xf32> to vector<16xf32>
      %parallel_loop3A_132 = vector.shape_cast %parallel_loop3A_127 : vector<16xf32> to vector<1x16xf32>
      tpu.vector_store %arg6[%parallel_loop3A_128, %parallel_loop3A_129], %parallel_loop3A_132 {strides = array<i32>} : memref<1664x32xf32, #tpu.memory_space<vmem>>, vector<1x16xf32>,
      %parallel_loop3A_133 = arith.index_cast %parallel_loop3A_120 : i32 to index
      %parallel_loop3A_134 = arith.constant 16 : index
      %parallel_loop3A_135 = tpu.vector_load %arg6[%parallel_loop3A_133, %parallel_loop3A_134] {strides = array<i32>} : memref<1664x32xf32, #tpu.memory_space<vmem>>, vector<1x16xf32>,
      %parallel_loop3A_136 = vector.shape_cast %parallel_loop3A_135 : vector<1x16xf32> to vector<16xf32>
      %parallel_loop3A_137 = arith.constant 1.000000e+01 : f32
      %parallel_loop3A_138 = vector.broadcast %parallel_loop3A_137 : f32 to vector<16xf32>
      %parallel_loop3A_139 = arith.mulf %parallel_loop3A_136, %parallel_loop3A_138 : vector<16xf32>
      %parallel_loop3A_140 = arith.index_cast %parallel_loop3A_120 : i32 to index
      %parallel_loop3A_141 = arith.constant 16 : index
      %parallel_loop3A_142 = tpu.vector_load %arg6[%parallel_loop3A_140, %parallel_loop3A_141] {strides = array<i32>} : memref<1664x32xf32, #tpu.memory_space<vmem>>, vector<1x16xf32>,
      %parallel_loop3A_143 = vector.shape_cast %parallel_loop3A_142 : vector<1x16xf32> to vector<16xf32>
      %parallel_loop3A_144 = vector.shape_cast %parallel_loop3A_139 : vector<16xf32> to vector<1x16xf32>
      tpu.vector_store %arg6[%parallel_loop3A_140, %parallel_loop3A_141], %parallel_loop3A_144 {strides = array<i32>} : memref<1664x32xf32, #tpu.memory_space<vmem>>, vector<1x16xf32>,
    } {sc.loop_unroll_factor = 8 : i64, sc.parallel_access}
    %add3A_108 = arith.constant 9984 : i32
    %add3A_109 = arith.addi %mul3A_2, %add3A_108 : i32
    "tpu.region"() ({
      %run_scoped3A = tpu.sem_alloc : memref<!tpu.dma_semaphore, #tpu.memory_space<semaphore_mem>>
      %dma_start3A_120 = arith.constant 0 : i32
      %dma_start3A_121 = tpu.memref_slice %arg4[%add3A_109, %dma_start3A_120] : memref<425984x32xf32, #tpu.memory_space<hbm>> -> memref<1664x32xf32, #tpu.memory_space<hbm>>
      %dma_start3A_122 = arith.constant 0 : i32
      %dma_start3A_123 = tpu.memref_slice %arg4[%add3A_109, %dma_start3A_122] : memref<425984x32xf32, #tpu.memory_space<hbm>> -> memref<1664x32xf32, #tpu.memory_space<hbm>>
      tpu.enqueue_dma source(%arg6 : memref<1664x32xf32, #tpu.memory_space<vmem>>) target(%dma_start3A_123 : memref<1664x32xf32, #tpu.memory_space<hbm>>) target_semaphore(%run_scoped3A : memref<!tpu.dma_semaphore, #tpu.memory_space<semaphore_mem>>)
      %dma_wait3A_124 = arith.constant 0 : i32
      %dma_wait3A_125 = tpu.memref_slice %arg4[%add3A_109, %dma_wait3A_124] : memref<425984x32xf32, #tpu.memory_space<hbm>> -> memref<1664x32xf32, #tpu.memory_space<hbm>>
      %dma_wait3A_126 = arith.constant 0 : i32
      %dma_wait3A_127 = tpu.memref_slice %arg4[%add3A_109, %dma_wait3A_126] : memref<425984x32xf32, #tpu.memory_space<hbm>> -> memref<1664x32xf32, #tpu.memory_space<hbm>>
      tpu.wait_dma2 semaphore(%run_scoped3A : memref<!tpu.dma_semaphore, #tpu.memory_space<semaphore_mem>>) src(%arg6 : memref<1664x32xf32, #tpu.memory_space<vmem>>) dst(%dma_wait3A_127 : memref<1664x32xf32, #tpu.memory_space<hbm>>)
      tpu.yield
    }) : () -> ()
    %dma_wait3A_110 = arith.constant 11648 : i32
    %dma_wait3A_111 = tpu.memref_slice %arg5[%dma_wait3A_110] : memref<13312xi32, #tpu.memory_space<vmem>> -> memref<1664xi32, #tpu.memory_space<vmem>>
    %dma_wait3A_112 = arith.constant 0 : i32
    %dma_wait3A_113 = arith.constant 0 : i32
    %dma_wait3A_114 = tpu.memref_slice %arg3[%dma_wait3A_112, %dma_wait3A_113] : memref<1000000x32xf32, #tpu.memory_space<hbm>> -> memref<1000000x32xf32, #tpu.memory_space<hbm>>
    tpu.wait_indirect_dma semaphore(%arg9 : memref<!tpu.dma_semaphore, #tpu.memory_space<semaphore_mem>>) src(%dma_wait3A_114 : memref<1000000x32xf32, #tpu.memory_space<hbm>>) dst(%arg7 : memref<1664x32xf32, #tpu.memory_space<vmem>>)
    %parallel_loop3A_115 = arith.constant 0 : i32
    %parallel_loop3A_116 = arith.constant 1664 : i32
    %parallel_loop3A_117 = arith.constant 1 : i32
    scf.for %parallel_loop3A_120 = %parallel_loop3A_115 to %parallel_loop3A_116 step %parallel_loop3A_117  : i32 {
      %parallel_loop3A_121 = arith.index_cast %parallel_loop3A_120 : i32 to index
      %parallel_loop3A_122 = arith.constant 0 : index
      %parallel_loop3A_123 = tpu.vector_load %arg7[%parallel_loop3A_121, %parallel_loop3A_122] {strides = array<i32>} : memref<1664x32xf32, #tpu.memory_space<vmem>>, vector<1x16xf32>,
      %parallel_loop3A_124 = vector.shape_cast %parallel_loop3A_123 : vector<1x16xf32> to vector<16xf32>
      %parallel_loop3A_125 = arith.constant 1.000000e+01 : f32
      %parallel_loop3A_126 = vector.broadcast %parallel_loop3A_125 : f32 to vector<16xf32>
      %parallel_loop3A_127 = arith.mulf %parallel_loop3A_124, %parallel_loop3A_126 : vector<16xf32>
      %parallel_loop3A_128 = arith.index_cast %parallel_loop3A_120 : i32 to index
      %parallel_loop3A_129 = arith.constant 0 : index
      %parallel_loop3A_130 = tpu.vector_load %arg7[%parallel_loop3A_128, %parallel_loop3A_129] {strides = array<i32>} : memref<1664x32xf32, #tpu.memory_space<vmem>>, vector<1x16xf32>,
      %parallel_loop3A_131 = vector.shape_cast %parallel_loop3A_130 : vector<1x16xf32> to vector<16xf32>
      %parallel_loop3A_132 = vector.shape_cast %parallel_loop3A_127 : vector<16xf32> to vector<1x16xf32>
      tpu.vector_store %arg7[%parallel_loop3A_128, %parallel_loop3A_129], %parallel_loop3A_132 {strides = array<i32>} : memref<1664x32xf32, #tpu.memory_space<vmem>>, vector<1x16xf32>,
      %parallel_loop3A_133 = arith.index_cast %parallel_loop3A_120 : i32 to index
      %parallel_loop3A_134 = arith.constant 16 : index
      %parallel_loop3A_135 = tpu.vector_load %arg7[%parallel_loop3A_133, %parallel_loop3A_134] {strides = array<i32>} : memref<1664x32xf32, #tpu.memory_space<vmem>>, vector<1x16xf32>,
      %parallel_loop3A_136 = vector.shape_cast %parallel_loop3A_135 : vector<1x16xf32> to vector<16xf32>
      %parallel_loop3A_137 = arith.constant 1.000000e+01 : f32
      %parallel_loop3A_138 = vector.broadcast %parallel_loop3A_137 : f32 to vector<16xf32>
      %parallel_loop3A_139 = arith.mulf %parallel_loop3A_136, %parallel_loop3A_138 : vector<16xf32>
      %parallel_loop3A_140 = arith.index_cast %parallel_loop3A_120 : i32 to index
      %parallel_loop3A_141 = arith.constant 16 : index
      %parallel_loop3A_142 = tpu.vector_load %arg7[%parallel_loop3A_140, %parallel_loop3A_141] {strides = array<i32>} : memref<1664x32xf32, #tpu.memory_space<vmem>>, vector<1x16xf32>,
      %parallel_loop3A_143 = vector.shape_cast %parallel_loop3A_142 : vector<1x16xf32> to vector<16xf32>
      %parallel_loop3A_144 = vector.shape_cast %parallel_loop3A_139 : vector<16xf32> to vector<1x16xf32>
      tpu.vector_store %arg7[%parallel_loop3A_140, %parallel_loop3A_141], %parallel_loop3A_144 {strides = array<i32>} : memref<1664x32xf32, #tpu.memory_space<vmem>>, vector<1x16xf32>,
    } {sc.loop_unroll_factor = 8 : i64, sc.parallel_access}
    %add3A_118 = arith.constant 11648 : i32
    %add3A_119 = arith.addi %mul3A_2, %add3A_118 : i32
    "tpu.region"() ({
      %run_scoped3A = tpu.sem_alloc : memref<!tpu.dma_semaphore, #tpu.memory_space<semaphore_mem>>
      %dma_start3A_120 = arith.constant 0 : i32
      %dma_start3A_121 = tpu.memref_slice %arg4[%add3A_119, %dma_start3A_120] : memref<425984x32xf32, #tpu.memory_space<hbm>> -> memref<1664x32xf32, #tpu.memory_space<hbm>>
      %dma_start3A_122 = arith.constant 0 : i32
      %dma_start3A_123 = tpu.memref_slice %arg4[%add3A_119, %dma_start3A_122] : memref<425984x32xf32, #tpu.memory_space<hbm>> -> memref<1664x32xf32, #tpu.memory_space<hbm>>
      tpu.enqueue_dma source(%arg7 : memref<1664x32xf32, #tpu.memory_space<vmem>>) target(%dma_start3A_123 : memref<1664x32xf32, #tpu.memory_space<hbm>>) target_semaphore(%run_scoped3A : memref<!tpu.dma_semaphore, #tpu.memory_space<semaphore_mem>>)
      %dma_wait3A_124 = arith.constant 0 : i32
      %dma_wait3A_125 = tpu.memref_slice %arg4[%add3A_119, %dma_wait3A_124] : memref<425984x32xf32, #tpu.memory_space<hbm>> -> memref<1664x32xf32, #tpu.memory_space<hbm>>
      %dma_wait3A_126 = arith.constant 0 : i32
      %dma_wait3A_127 = tpu.memref_slice %arg4[%add3A_119, %dma_wait3A_126] : memref<425984x32xf32, #tpu.memory_space<hbm>> -> memref<1664x32xf32, #tpu.memory_space<hbm>>
      tpu.wait_dma2 semaphore(%run_scoped3A : memref<!tpu.dma_semaphore, #tpu.memory_space<semaphore_mem>>) src(%arg7 : memref<1664x32xf32, #tpu.memory_space<vmem>>) dst(%dma_wait3A_127 : memref<1664x32xf32, #tpu.memory_space<hbm>>)
      tpu.yield
    }) : () -> ()
    return
  }
}

</mosaic_0001>

<sc_bundles>
// kernel: _scaled_embedding.3.cloned.1.call-start
scs
__scs_entry_jumppad:
0x0: {  	(pc) =	sbr.rel $0x88, $3  }
0x1: {  	(tag) =	ssettag $0x0;
	lr =	simm.s32 $0x1  }
0x2: {  	[smem:$0x3F9F] =	sst lr;
	_ =	strace $0xD0000000  }
0x3: {  	_ = 	snop  }
0x4: {  	_ = 	snop  }
0x5: {  	_ = 	snop  }
0x6: {  	_ = 	snop  }
0x7: {  	_ = 	snop  }
__scs_overlays_trampoline_lowered:
0x8: {  	[smem:$0x3FAE] =	sst s0  }
0x9: {  	[smem:$0x3FAF] =	sst s1  }
0xa: {  	[smem:$0x3FB0] =	sst s2  }
0xb: {  	[smem:$0x3FB1] =	sst s3  }
0xc: {  	[smem:$0x3FB2] =	sst s4  }
0xd: {  	[smem:$0x3FB3] =	sst s5  }
0xe: {  	[smem:$0x3FB4] =	sst s6  }
0xf: {  	[smem:$0x3FB5] =	sst s7  }
0x10: {  	[smem:$0x3FB6] =	sst s8  }
0x11: {  	[smem:$0x3FB7] =	sst s9;
	s0 =	simm.s32 @!p0 $0x0  }
0x12: {  	s1 =	sld [smem:$0x3F9D];
	s0 =	simm.s32 @p0 $0x1  }
0x13: {  	[smem:$0x3FB8] =	sst s0;
	s0 =	simm.s32 @!p1 $0x0  }
0x14: {  	s2 =	sld [smem:$0x3F9C];
	s0 =	simm.s32 @p1 $0x1  }
0x15: {  	[smem:$0x3FB9] =	sst s0;
	s0 =	simm.s32 @!p2 $0x0  }
0x16: {  	s3 =	sld [smem:$0x3FDB];
	s0 =	simm.s32 @p2 $0x1  }
0x17: {  	s4 =	simm.s32 $0x1BF5;
	[smem:$0x3FBB] =	sst s0  }
0x18: {  	s0 =	sld [smem:$0x3F9E];
	_ =	swait.ge [sflag:s4], $0x0  }
0x19: {  	s7 =	sld [smem:$0x3F9F]  }
0x1a: {  	s8 =	sadd.s32 $0xFFFFE003, lr  }
0x1b: {  	s9 =	sadd.s32 $0xFFFFFEF7, lr;
	s5 =	simm.s32 $0xFFFFFFFF;
	p2 =	slt.u32 s8, $0xFFFFF086  }
0x1c: {  	p1 =	slt.u32 s9, $0xF7A;
	s5 =	simm.s32 @!p2 $0x0  }
0x1d: {  	s5 =	simm.s32 @p1 $0x1;
	p0 =	seq.s32 s7, s2  }
0x1e: {  	s7 =	smul.u32 @!p0 $0xF7A, s2;
	p2 =	seq.s32 @!p0 s5, $0x0  }
0x1f: {  	s9 =	smul.u32 $0xF7A, s1;
	s8 =	simm.s32 @!p0 $0x1BF5;
	p2 =	por !p2, p0  }
0x20: {  	[sflag:s8] =	ssyncset.s32 @!p0 $0xFFFFF086;
	s6 =	sadd.s32 @!p0 s3, s7;
	s7 =	simm.s32 @!p0 $0x108  }
0x21: {  	s3 =	sadd.s32 s3, s9;
	s6 =	sadd.s32 @!p0 $0x88, s6;
	s7 =	simm.s32 @p2 $0x1082  }
0x22: {  	[simem:s7], [sflag:s8] =	dma.local @!p0 [hbm:s6], $0xF7A  }
0x23: {  	s9 =	sor.u32 $0xD0000000, s2;
	s6 =	simm.s32 $0x108;
	_ =	swait.ge @!p0 [sflag:s8], $0x0  }
0x24: {  	s3 =	sadd.s32 $0x88, s3;
	s6 =	simm.s32 @!p1 $0x1082;
	[sflag:s4] =	ssyncset.s32 $0xFFFFF086  }
0x25: {  	[simem:s6], [sflag:s4] =	dma.local [hbm:s3], $0xF7A  }
0x26: {  	[smem:$0x3F9F] =	sst s1;
	(tag) =	ssettag s2;
	_ =	strace s9  }
0x27: {  	s1 =	sld [smem:$0x3FAF]  }
0x28: {  	s2 =	sld [smem:$0x3FB0]  }
0x29: {  	s4 =	sld [smem:$0x3FB2]  }
0x2a: {  	p0 =	seq.s32 s5, $0x0;
	s5 =	sld [smem:$0x3FB3]  }
0x2b: {  	s6 =	sld [smem:$0x3FB4]  }
0x2c: {  	s7 =	sld [smem:$0x3FB5]  }
0x2d: {  	s3 =	simm.s32 $0x108;
	s8 =	sld [smem:$0x3FB6]  }
0x2e: {  	s3 =	simm.s32 @!p0 $0x1082;
	s9 =	sld [smem:$0x3FB7]  }
0x2f: {  	lr =	sadd.s32 s0, s3;
	s0 =	sld [smem:$0x3FAE]  }
0x30: {  	s3 =	sld [smem:$0x3FB1]  }
0x31: {  	[smem:$0x3FBA] =	sst s10  }
0x32: {  	s10 =	sld [smem:$0x3FB8];
	_ =	sdelay $0x3  }
0x33: {  	p0 =	seq.s32 s10, $0x1;
	s10 =	sld [smem:$0x3FBA];
	_ =	sdelay $0x3  }
0x34: {  	[smem:$0x3FBA] =	sst s10  }
0x35: {  	s10 =	sld [smem:$0x3FB9];
	_ =	sdelay $0x3  }
0x36: {  	p1 =	seq.s32 s10, $0x1;
	s10 =	sld [smem:$0x3FBA];
	_ =	sdelay $0x3  }
0x37: {  	[smem:$0x3FBA] =	sst s10  }
0x38: {  	s10 =	sld [smem:$0x3FBB]  }
0x39: {  	_ = 	snop;
	(pc) =	sbr.ind lr, $3  }
0x3a: {  	_ = 	snop  }
0x3b: {  	_ = 	snop  }
0x3c: {  	p2 =	seq.s32 s10, $0x1;
	s10 =	sld [smem:$0x3FBA]  }
0x3d: {  	_ =	shalt  }
0x3e: {  	_ =	shalt  }
0x3f: {  	_ =	shalt  }
0x40: {  	_ =	shalt  }
0x41: {  	_ =	shalt  }
0x42: {  	_ =	shalt  }
0x43: {  	_ =	shalt  }
0x44: {  	_ =	shalt  }
0x45: {  	_ =	shalt  }
0x46: {  	_ =	shalt  }
0x47: {  	_ =	shalt  }
0x48: {  	_ =	shalt  }
0x49: {  	_ =	shalt  }
0x4a: {  	_ =	shalt  }
0x4b: {  	_ =	shalt  }
0x4c: {  	_ =	shalt  }
0x4d: {  	_ =	shalt  }
0x4e: {  	_ =	shalt  }
0x4f: {  	_ =	shalt  }
0x50: {  	_ =	shalt  }
0x51: {  	_ =	shalt  }
0x52: {  	_ =	shalt  }
0x53: {  	_ =	shalt  }
0x54: {  	_ =	shalt  }
0x55: {  	_ =	shalt  }
0x56: {  	_ =	shalt  }
0x57: {  	_ =	shalt  }
0x58: {  	_ =	shalt  }
0x59: {  	_ =	shalt  }
0x5a: {  	_ =	shalt  }
0x5b: {  	_ =	shalt  }
0x5c: {  	_ =	shalt  }
0x5d: {  	_ =	shalt  }
0x5e: {  	_ =	shalt  }
0x5f: {  	_ =	shalt  }
0x60: {  	_ =	shalt  }
0x61: {  	_ =	shalt  }
0x62: {  	_ =	shalt  }
0x63: {  	_ =	shalt  }
0x64: {  	_ =	shalt  }
0x65: {  	_ =	shalt  }
0x66: {  	_ =	shalt  }
0x67: {  	_ =	shalt  }
0x68: {  	_ =	shalt  }
0x69: {  	_ =	shalt  }
0x6a: {  	_ =	shalt  }
0x6b: {  	_ =	shalt  }
0x6c: {  	_ =	shalt  }
0x6d: {  	_ =	shalt  }
0x6e: {  	_ =	shalt  }
0x6f: {  	_ =	shalt  }
0x70: {  	_ =	shalt  }
0x71: {  	_ =	shalt  }
0x72: {  	_ =	shalt  }
0x73: {  	_ =	shalt  }
0x74: {  	_ =	shalt  }
0x75: {  	_ =	shalt  }
0x76: {  	_ =	shalt  }
0x77: {  	_ =	shalt  }
0x78: {  	_ =	shalt  }
0x79: {  	_ =	shalt  }
0x7a: {  	_ =	shalt  }
0x7b: {  	_ =	shalt  }
0x7c: {  	_ =	shalt  }
0x7d: {  	_ =	shalt  }
0x7e: {  	_ =	shalt  }
0x7f: {  	_ =	shalt  }
0x80: {  	_ =	shalt  }
0x81: {  	_ =	shalt  }
0x82: {  	_ =	shalt  }
0x83: {  	_ =	shalt  }
0x84: {  	_ =	shalt  }
0x85: {  	_ =	shalt  }
0x86: {  	_ =	shalt  }
0x87: {  	_ =	shalt  }
.Lfunc_end0:
.L_simem_size_0:
called_computation.1_lowered:
.L_overlay_start_0:
0x88: {  	s2 =	sld [smem:$0x3FD9]  }
0x89: {  	s3 =	sld [smem:$0x3FFE];
	_ =	sdelay $0x1  }
0x8a: {  	s1 =	srdreg.scid  }
0x8b: {  	s0 =	sand.u32 $0x1, s1  }
0x8c: {  	s17 =	sshll.u32 s0, $0xA;
	s2 =	sadd.s32 s3, s2  }
0x8d: {  	s2 =	sadd.s32 s2, s17  }
0x8e: {  	[smem:$0x3FC6] =	sst s2  }
0x8f: {  	_ = 	snop  }
0x90: {  	s2 =	sld [smem:$0x3FC9]  }
0x91: {  	s18 =	sld [smem:$0x3FD0];
	(tm) =	ssettm $0x1  }
0x92: {  	s4 =	sld [smem:$0x3FFB];
	_ =	sdelay $0x3  }
0x93: {  	_ =	strace s4  }
0x94: {  	s4 =	sld [smem:$0x3FFC];
	_ =	sdelay $0x3  }
0x95: {  	_ =	strace s4  }
0x96: {  	s4 =	sld [smem:$0x3FFD];
	_ =	sdelay $0x3  }
0x97: {  	_ =	strace s4  }
0x98: {  	_ =	strace $0x8FFFFFFF  }
0x99: {  	s19 =	sld [smem:$0x3FDB];
	_ =	sdelay $0x1  }
0x9a: {  	s5 =	simm.s32 $_scs_section_size  }
0x9b: {  	s6 =	simm.s32 $_size__tile_overlayer_lowered;
	s7 =	simm.s32 $_tile_overlayer_lowered  }
0x9c: {  	s22 =	simm.s32 $0x1BFF;
	s21 =	sshll.u32 s7, $0x1;
	s4 =	sadd.s32 s5, s19  }
0x9d: {  	s8 =	simm.s32 $0x0;
	s20 =	sshll.u32 s6, $0x1;
	s6 =	sadd.s32 s21, s4  }
0x9e: {  	[timem:s8], [sflag:s22] =	dma.local [hbm:s6], s20  }
0x9f: {  	_ =	swait.ge [sflag:s22], s20  }
0xa0: {  	s5 =	ssub.s32 $0x0, s20;
	[sflag:s22] =	ssyncset.done $0x0  }
0xa1: {  	[sflag:s22] =	ssyncadd.s32 s5;
	_ =	sdelay $0x1  }
0xa2: {  	s23 =	simm.s32 $0x1B8B  }
0xa3: {  	_ =	swait.ge [sflag:s23], $0x1  }
0xa4: {  	[sflag:s23] =	ssyncset.done $0x0  }
0xa5: {  	s25 =	simm.s32 $0x1B8E;
	s24 =	sld [smem:$0x3FFE];
	[sflag:s23] =	ssyncadd.s32 $0xFFFFFFFF  }
0xa6: {  	s26 =	simm.s32 $execute0_lowered;
	[smem:$0x3FD2] =	sst s25  }
0xa7: {  	s6 =	sshll.u32 s26, $0x1;
	_ =	strace $0x80000046;
	[dreg:$0x1] =	wrdreg $0xFFFFFFFF  }
0xa8: {  	s28 =	simm.s32 $_size_execute0_lowered;
	s4 =	sadd.s32 s4, s6;
	[dreg:$0x0] =	wrdreg $0x0  }
0xa9: {  	s6 =	sshll.u32 s28, $0x1;
	[dreg:$0x2] =	wrdreg s4  }
0xaa: {  	[dreg:$0x3] =	wrdreg s6  }
0xab: {  	[dreg:$0x4] =	wrdreg $0xC0  }
0xac: {  	_ =	task [dreg:s8], $0x5FFFF  }
0xad: {  	[dreg:$0x1] =	wrdreg $0xFFFFFFFF  }
0xae: {  	[dreg:$0x0] =	wrdreg $0x60  }
0xaf: {  	[dreg:$0x2] =	wrdreg s2  }
0xb0: {  	[dreg:$0x3] =	wrdreg s24  }
0xb1: {  	[dreg:$0x4] =	wrdreg s18  }
0xb2: {  	[dreg:$0x5] =	wrdreg $0x9  }
0xb3: {  	_ =	task.clear_ibuf [dreg:s8], $0x6FFFF;
	_ =	strace $0x90000046  }
0xb4: {  	s29 =	simm.s32 $0x9;
	_ =	strace $0x80000048  }
0xb5: {  	_ =	swait.ge [sflag:s29], $0x1  }
0xb6: {  	[sflag:s29] =	ssyncadd.s32 $0xFFFFFFFF  }
0xb7: {  	_ =	strace $0x90000048  }
0xb8: {  	_ =	sfence  }
0xb9: {  	s30 =	sld [smem:$0x0];
	_ =	sdelay $0x2  }
0xba: {  	s31 =	sshll.u32 s1, $0xD;
	s1 =	sshrl.u32 s1, $0x2  }
0xbb: {  	s3 =	sand.u32 $0x4000, s31;
	s1 =	sadd.s32 s1, s30  }
0xbc: {  	s0 =	sor.u32 s3, s0;
	s1 =	sshll.u32 s1, $0x11  }
0xbd: {  	s0 =	sor.u32 s1, s0  }
0xbe: {  	s0 =	sadd.s32 $0x8F2B, s0  }
0xbf: {  	[sflag:s0] =	ssyncadd.remote.s32 $0x1  }
0xc0: {  	_ =	sfence.sel $0xFFFF  }
0xc1: {  	[dreg:$0x0] =	wrdreg $0xFFFFFFFF;
	(pc) =	sbr.abs _section_cstart, $3  }
0xc2: {  	[dreg:$0x1] =	wrdreg $0xFFFFFFFF  }
0xc3: {  	_ =	task.clear_ibuf [dreg:s8], $0x2FFFF;
	_ =	strace $0x9FFFFFFF  }
0xc4: {  	(tm) =	ssettm $0x7FFFFFFF  }
0xc5: {  	_ =	shalt  }
tec
execute0_lowered:
.L_overlay_start_1:
0x0: {  	(tag) =	ssettag $0x1  }
0x1: {  	s4 =	rddreg [dreg:$0x0]  }
0x2: {  	s1 =	srdreg.scid;
	s3 =	rddreg [dreg:$0x1]  }
0x3: {  	s0 =	stileid.u32;
	s6 =	rddreg [dreg:$0x2]  }
0x4: {  	s2 =	simm.s32 $0x0;
	s14 =	simm.s32 $0x3;
	s15 =	simm.s32 $0x680  }
0x5: {  	s16 =	simm.s32 $0x3400;
	s17 =	simm.s32 $0x10400;
	s18 =	simm.s32 $0x1  }
0x6: {  	s19 =	simm.s32 $0xD00;
	s20 =	simm.s32 $0x2;
	s21 =	simm.s32 $0x1380  }
0x7: {  	s22 =	simm.s32 $0x1A00;
	s23 =	simm.s32 $0x2080;
	s24 =	simm.s32 $0x2700  }
0x8: {  	s25 =	simm.s32 $0x2D80;
	s5 =	sand.u32 $0x1, s1;
	s31 =	sshll.u32 s0, $0x1  }
0x9: {  	s26 =	simm.s32 $0x0;
	s1 =	rddreg [dreg:$0x3];
	s7 =	sor.u32 s5, s31  }
0xa: {  	[smem:$0x7FF] =	sst s2;
	s3 =	sadd.s32 $0xF42C00, s3;
	s9 =	smul.u32 $0x68000, s7  }
0xb: {  	s5 =	ssub.s32 $0x2, s5;
	_ =	strace $0x80000047;
	s8 =	smul.u32 $0x680, s7  }
0xc: {  	s10 =	sshrl.u32 s5, $0x1;
	s7 =	smul.u32 $0xD000, s7;
	s9 =	sshrl.u32 s9, $0x3  }
0xd: {  	s13 =	ssub.s32 s5, s10;
	s4 =	sadd.s32 s4, s8;
	s12 =	sadd.s32 s6, s9  }
0xe: {  	s5 =	sadd.s32 s6, s7;
	s13 =	smax.u32 s13, $0x1;
	s6 =	sadd.s32 $0x1A00, s12  }
0xf: {  	s7 =	sadd.s32 $0x3400, s12;
	s8 =	sadd.s32 $0x4E00, s12;
	s9 =	sadd.s32 $0x6800, s12  }
0x10: {  	s10 =	sadd.s32 $0x8200, s12;
	s11 =	sadd.s32 $0x9C00, s12;
	s12 =	sadd.s32 $0xB600, s12  }
.LBB2_1:
0x11: {  	[tilespmem:s2], [sflag:$0x3] =	stream.linear.gather [hbm4b:s4+s2], $0x3400, $0x38;
	[tilespmem:$0x1D400] =	vst v63  }
0x12: {  	_ =	swait.ge [sflag:s14], $0x3400  }
0x13: {  	[sflag:s14] =	ssyncset.done $0x0  }
0x14: {  	[sflag:s14] =	ssyncadd.s32 $0xFFFFCC00  }
0x15: {  	[tilespmem:s16], [sflag:$0x1] =	stream.indirect.gather [hbm4b:s3+s15], $0x20, s2, s15, $0xb8;
	[tilespmem:$0x1D400] =	vst v63  }
0x16: {  	_ = 	snop  }
0x17: {  	[tilespmem:s17], [sflag:$0x2] =	stream.indirect.gather [hbm4b:s3+s15], $0x20, s15, s15, $0xb8;
	[tilespmem:$0x1D400] =	vst v63  }
0x18: {  	_ =	swait.ge [sflag:s18], $0xD000  }
0x19: {  	[sflag:s18] =	ssyncset.done $0x0  }
0x1a: {  	s28 =	simm.s32 $0x3480;
	[sflag:s18] =	ssyncadd.s32 $0xFFFF3000  }
0x1b: {  	v0 =	vld [tilespmem:s28+$0x70]  }
0x1c: {  	v1 =	vld [tilespmem:s28+$0xFFFFFF90]  }
0x1d: {  	v2 =	vld [tilespmem:s28+$0xFFFFFFA0]  }
0x1e: {  	v3 =	vld [tilespmem:s28+$0xFFFFFFB0]  }
0x1f: {  	v4 =	vld [tilespmem:s28+$0xFFFFFFC0]  }
0x20: {  	v5 =	vld [tilespmem:s28+$0xFFFFFFD0];
	v0 =	vmul.f32 $1.000000000e+01, v0  }
0x21: {  	v6 =	vld [tilespmem:s28+$0xFFFFFFE0];
	v1 =	vmul.f32 $1.000000000e+01, v1  }
0x22: {  	v7 =	vld [tilespmem:s28+$0xFFFFFFF0];
	v2 =	vmul.f32 $1.000000000e+01, v2;
	[tilespmem:s28+$0x70] =	vst v0  }
0x23: {  	[tilespmem:s28+$0xFFFFFF90] =	vst v1;
	v0 =	vmul.f32 $1.000000000e+01, v3;
	v3 =	vld [tilespmem:s28+$0x0]  }
0x24: {  	[tilespmem:s28+$0xFFFFFFA0] =	vst v2;
	v1 =	vmul.f32 $1.000000000e+01, v4;
	v4 =	vld [tilespmem:s28+$0x10]  }
0x25: {  	v8 =	vld [tilespmem:s28+$0x20];
	v2 =	vmul.f32 $1.000000000e+01, v5;
	[tilespmem:s28+$0xFFFFFFB0] =	vst v0  }
0x26: {  	v5 =	vmul.f32 $1.000000000e+01, v6;
	[tilespmem:s28+$0xFFFFFFC0] =	vst v1;
	v0 =	vld [tilespmem:s28+$0x30]  }
0x27: {  	v6 =	vmul.f32 $1.000000000e+01, v7;
	[tilespmem:s28+$0xFFFFFFD0] =	vst v2;
	v1 =	vld [tilespmem:s28+$0x40]  }
0x28: {  	[tilespmem:s28+$0xFFFFFFE0] =	vst v5;
	v2 =	vld [tilespmem:s28+$0x50];
	v7 =	vmul.f32 $1.000000000e+01, v3  }
0x29: {  	[tilespmem:s28+$0xFFFFFFF0] =	vst v6;
	v3 =	vld [tilespmem:s28+$0x60];
	v5 =	vmul.f32 $1.000000000e+01, v4  }
0x2a: {  	s29 =	simm.s32 $0x0;
	s30 =	simm.s32 $0x3580;
	v6 =	vmul.f32 $1.000000000e+01, v8;
	v4 =	vld [tilespmem:s28+$0xFFFFFF80];
	[tilespmem:s28+$0x0] =	vst v7  }
.LBB2_2:
0x2b: {  	v7 =	vld [tilespmem:s30+$0x70];
	s29 =	sadd.s32 $0x8, s29;
	[tilespmem:s28+$0x10] =	vst v5;
	v0 =	vmul.f32 $1.000000000e+01, v0  }
0x2c: {  	v5 =	vld [tilespmem:s30+$0xFFFFFF90];
	p0 =	slt.u32 s29, $0x678;
	[tilespmem:s28+$0x20] =	vst v6;
	v1 =	vmul.f32 $1.000000000e+01, v1  }
0x2d: {  	v6 =	vld [tilespmem:s30+$0xFFFFFFA0];
	[tilespmem:s28+$0x30] =	vst v0;
	v0 =	vmul.f32 $1.000000000e+01, v2  }
0x2e: {  	v2 =	vld [tilespmem:s30+$0xFFFFFFB0];
	[tilespmem:s28+$0x40] =	vst v1;
	v1 =	vmul.f32 $1.000000000e+01, v3  }
0x2f: {  	v3 =	vld [tilespmem:s30+$0xFFFFFFC0];
	v4 =	vmul.f32 $1.000000000e+01, v4;
	[tilespmem:s28+$0x50] =	vst v0  }
0x30: {  	v0 =	vld [tilespmem:s30+$0xFFFFFFD0];
	v7 =	vmul.f32 $1.000000000e+01, v7;
	[tilespmem:s28+$0x60] =	vst v1  }
0x31: {  	v1 =	vmul.f32 $1.000000000e+01, v5;
	v5 =	vld [tilespmem:s30+$0xFFFFFFE0];
	[tilespmem:s28+$0xFFFFFF80] =	vst v4;
	s28 =	smov.u32 s30  }
0x32: {  	v4 =	vmul.f32 $1.000000000e+01, v6;
	v6 =	vld [tilespmem:s30+$0xFFFFFFF0];
	[tilespmem:s30+$0x70] =	vst v7  }
0x33: {  	[tilespmem:s30+$0xFFFFFF90] =	vst v1;
	v1 =	vmul.f32 $1.000000000e+01, v2;
	v2 =	vld [tilespmem:s30+$0x0]  }
0x34: {  	[tilespmem:s30+$0xFFFFFFA0] =	vst v4;
	v3 =	vmul.f32 $1.000000000e+01, v3;
	v4 =	vld [tilespmem:s30+$0x10]  }
0x35: {  	[tilespmem:s30+$0xFFFFFFB0] =	vst v1;
	v1 =	vmul.f32 $1.000000000e+01, v0;
	v7 =	vld [tilespmem:s30+$0x20]  }
.Ltmp0:
0x36: {  	[tilespmem:s30+$0xFFFFFFC0] =	vst v3;
	v3 =	vmul.f32 $1.000000000e+01, v5;
	v0 =	vld [tilespmem:s30+$0x30];
	(pc) =	sbr.rel @p0 .LBB2_2-.Ltmp0, $4  }
0x37: {  	[tilespmem:s30+$0xFFFFFFD0] =	vst v1;
	v5 =	vmul.f32 $1.000000000e+01, v6;
	v1 =	vld [tilespmem:s30+$0x40]  }
0x38: {  	[tilespmem:s30+$0xFFFFFFE0] =	vst v3;
	v6 =	vmul.f32 $1.000000000e+01, v2;
	v2 =	vld [tilespmem:s30+$0x50]  }
0x39: {  	[tilespmem:s30+$0xFFFFFFF0] =	vst v5;
	v5 =	vmul.f32 $1.000000000e+01, v4;
	v3 =	vld [tilespmem:s30+$0x60]  }
0x3a: {  	s30 =	sadd.s32 $0x100, s30;
	v4 =	vld [tilespmem:s28+$0xFFFFFF80];
	[tilespmem:s28+$0x0] =	vst v6;
	v6 =	vmul.f32 $1.000000000e+01, v7  }
0x3b: {  	[tilespmem:s28+$0x10] =	vst v5;
	v0 =	vmul.f32 $1.000000000e+01, v0  }
0x3c: {  	[tilespmem:s28+$0x20] =	vst v6;
	v1 =	vmul.f32 $1.000000000e+01, v1  }
0x3d: {  	[tilespmem:s28+$0x30] =	vst v0;
	v0 =	vmul.f32 $1.000000000e+01, v2  }
0x3e: {  	[tilespmem:s28+$0x40] =	vst v1;
	v1 =	vmul.f32 $1.000000000e+01, v3  }
0x3f: {  	v2 =	vmul.f32 $1.000000000e+01, v4;
	[tilespmem:s28+$0x50] =	vst v0  }
0x40: {  	[tilespmem:s28+$0x60] =	vst v1  }
0x41: {  	[tilespmem:s28+$0xFFFFFF80] =	vst v2  }
0x42: {  	[hbm4b:s5+s2] =	stream.linear.scatter [tilespmem:s16], [sflag:$0x3], $0xD000, $0x38;
	[tilespmem:$0x1D400] =	vst v63  }
0x43: {  	_ =	swait.ge [sflag:s14], $0xD000  }
0x44: {  	[sflag:s14] =	ssyncset.done $0x0  }
0x45: {  	[sflag:s14] =	ssyncadd.s32 $0xFFFF3000  }
0x46: {  	[tilespmem:s16], [sflag:$0x1] =	stream.indirect.gather [hbm4b:s3+s15], $0x20, s19, s15, $0xb8;
	[tilespmem:$0x1D400] =	vst v63  }
0x47: {  	_ =	swait.ge [sflag:s20], $0xD000  }
0x48: {  	[sflag:s20] =	ssyncset.done $0x0  }
0x49: {  	s28 =	simm.s32 $0x10480;
	[sflag:s20] =	ssyncadd.s32 $0xFFFF3000  }
0x4a: {  	v0 =	vld [tilespmem:s28+$0x70]  }
0x4b: {  	v1 =	vld [tilespmem:s28+$0xFFFFFF90]  }
0x4c: {  	v2 =	vld [tilespmem:s28+$0xFFFFFFA0]  }
0x4d: {  	v3 =	vld [tilespmem:s28+$0xFFFFFFB0]  }
0x4e: {  	v4 =	vld [tilespmem:s28+$0xFFFFFFC0]  }
0x4f: {  	v5 =	vld [tilespmem:s28+$0xFFFFFFD0];
	v0 =	vmul.f32 $1.000000000e+01, v0  }
0x50: {  	v6 =	vld [tilespmem:s28+$0xFFFFFFE0];
	v1 =	vmul.f32 $1.000000000e+01, v1  }
0x51: {  	v7 =	vld [tilespmem:s28+$0xFFFFFFF0];
	v2 =	vmul.f32 $1.000000000e+01, v2;
	[tilespmem:s28+$0x70] =	vst v0  }
0x52: {  	[tilespmem:s28+$0xFFFFFF90] =	vst v1;
	v0 =	vmul.f32 $1.000000000e+01, v3;
	v3 =	vld [tilespmem:s28+$0x0]  }
0x53: {  	[tilespmem:s28+$0xFFFFFFA0] =	vst v2;
	v1 =	vmul.f32 $1.000000000e+01, v4;
	v4 =	vld [tilespmem:s28+$0x10]  }
0x54: {  	v8 =	vld [tilespmem:s28+$0x20];
	v2 =	vmul.f32 $1.000000000e+01, v5;
	[tilespmem:s28+$0xFFFFFFB0] =	vst v0  }
0x55: {  	v5 =	vmul.f32 $1.000000000e+01, v6;
	[tilespmem:s28+$0xFFFFFFC0] =	vst v1;
	v0 =	vld [tilespmem:s28+$0x30]  }
0x56: {  	v6 =	vmul.f32 $1.000000000e+01, v7;
	[tilespmem:s28+$0xFFFFFFD0] =	vst v2;
	v1 =	vld [tilespmem:s28+$0x40]  }
0x57: {  	[tilespmem:s28+$0xFFFFFFE0] =	vst v5;
	v2 =	vld [tilespmem:s28+$0x50];
	v7 =	vmul.f32 $1.000000000e+01, v3  }
0x58: {  	[tilespmem:s28+$0xFFFFFFF0] =	vst v6;
	v3 =	vld [tilespmem:s28+$0x60];
	v5 =	vmul.f32 $1.000000000e+01, v4  }
0x59: {  	s29 =	simm.s32 $0x0;
	s30 =	simm.s32 $0x10580;
	v6 =	vmul.f32 $1.000000000e+01, v8;
	v4 =	vld [tilespmem:s28+$0xFFFFFF80];
	[tilespmem:s28+$0x0] =	vst v7  }
.LBB2_4:
0x5a: {  	v7 =	vld [tilespmem:s30+$0x70];
	s29 =	sadd.s32 $0x8, s29;
	[tilespmem:s28+$0x10] =	vst v5;
	v0 =	vmul.f32 $1.000000000e+01, v0  }
0x5b: {  	v5 =	vld [tilespmem:s30+$0xFFFFFF90];
	p0 =	slt.u32 s29, $0x678;
	[tilespmem:s28+$0x20] =	vst v6;
	v1 =	vmul.f32 $1.000000000e+01, v1  }
0x5c: {  	v6 =	vld [tilespmem:s30+$0xFFFFFFA0];
	[tilespmem:s28+$0x30] =	vst v0;
	v0 =	vmul.f32 $1.000000000e+01, v2  }
0x5d: {  	v2 =	vld [tilespmem:s30+$0xFFFFFFB0];
	[tilespmem:s28+$0x40] =	vst v1;
	v1 =	vmul.f32 $1.000000000e+01, v3  }
0x5e: {  	v3 =	vld [tilespmem:s30+$0xFFFFFFC0];
	v4 =	vmul.f32 $1.000000000e+01, v4;
	[tilespmem:s28+$0x50] =	vst v0  }
0x5f: {  	v0 =	vld [tilespmem:s30+$0xFFFFFFD0];
	v7 =	vmul.f32 $1.000000000e+01, v7;
	[tilespmem:s28+$0x60] =	vst v1  }
0x60: {  	v1 =	vmul.f32 $1.000000000e+01, v5;
	v5 =	vld [tilespmem:s30+$0xFFFFFFE0];
	[tilespmem:s28+$0xFFFFFF80] =	vst v4;
	s28 =	smov.u32 s30  }
0x61: {  	v4 =	vmul.f32 $1.000000000e+01, v6;
	v6 =	vld [tilespmem:s30+$0xFFFFFFF0];
	[tilespmem:s30+$0x70] =	vst v7  }
0x62: {  	[tilespmem:s30+$0xFFFFFF90] =	vst v1;
	v1 =	vmul.f32 $1.000000000e+01, v2;
	v2 =	vld [tilespmem:s30+$0x0]  }
0x63: {  	[tilespmem:s30+$0xFFFFFFA0] =	vst v4;
	v3 =	vmul.f32 $1.000000000e+01, v3;
	v4 =	vld [tilespmem:s30+$0x10]  }
0x64: {  	[tilespmem:s30+$0xFFFFFFB0] =	vst v1;
	v1 =	vmul.f32 $1.000000000e+01, v0;
	v7 =	vld [tilespmem:s30+$0x20]  }
.Ltmp1:
0x65: {  	[tilespmem:s30+$0xFFFFFFC0] =	vst v3;
	v3 =	vmul.f32 $1.000000000e+01, v5;
	v0 =	vld [tilespmem:s30+$0x30];
	(pc) =	sbr.rel @p0 .LBB2_4-.Ltmp1, $4  }
0x66: {  	[tilespmem:s30+$0xFFFFFFD0] =	vst v1;
	v5 =	vmul.f32 $1.000000000e+01, v6;
	v1 =	vld [tilespmem:s30+$0x40]  }
0x67: {  	[tilespmem:s30+$0xFFFFFFE0] =	vst v3;
	v6 =	vmul.f32 $1.000000000e+01, v2;
	v2 =	vld [tilespmem:s30+$0x50]  }
0x68: {  	[tilespmem:s30+$0xFFFFFFF0] =	vst v5;
	v5 =	vmul.f32 $1.000000000e+01, v4;
	v3 =	vld [tilespmem:s30+$0x60]  }
0x69: {  	s30 =	sadd.s32 $0x100, s30;
	v4 =	vld [tilespmem:s28+$0xFFFFFF80];
	[tilespmem:s28+$0x0] =	vst v6;
	v6 =	vmul.f32 $1.000000000e+01, v7  }
0x6a: {  	[tilespmem:s28+$0x10] =	vst v5;
	v0 =	vmul.f32 $1.000000000e+01, v0  }
0x6b: {  	[tilespmem:s28+$0x20] =	vst v6;
	v1 =	vmul.f32 $1.000000000e+01, v1  }
0x6c: {  	[tilespmem:s28+$0x30] =	vst v0;
	v0 =	vmul.f32 $1.000000000e+01, v2  }
0x6d: {  	[tilespmem:s28+$0x40] =	vst v1;
	v1 =	vmul.f32 $1.000000000e+01, v3  }
0x6e: {  	v2 =	vmul.f32 $1.000000000e+01, v4;
	[tilespmem:s28+$0x50] =	vst v0  }
0x6f: {  	[tilespmem:s28+$0x60] =	vst v1  }
0x70: {  	[tilespmem:s28+$0xFFFFFF80] =	vst v2  }
0x71: {  	[hbm4b:s6+s2] =	stream.linear.scatter [tilespmem:s17], [sflag:$0x3], $0xD000, $0x38;
	[tilespmem:$0x1D400] =	vst v63  }
0x72: {  	_ =	swait.ge [sflag:s14], $0xD000  }
0x73: {  	[sflag:s14] =	ssyncset.done $0x0  }
0x74: {  	[sflag:s14] =	ssyncadd.s32 $0xFFFF3000  }
0x75: {  	[tilespmem:s17], [sflag:$0x2] =	stream.indirect.gather [hbm4b:s3+s15], $0x20, s21, s15, $0xb8;
	[tilespmem:$0x1D400] =	vst v63  }
0x76: {  	_ =	swait.ge [sflag:s18], $0xD000  }
0x77: {  	[sflag:s18] =	ssyncset.done $0x0  }
0x78: {  	s28 =	simm.s32 $0x3480;
	[sflag:s18] =	ssyncadd.s32 $0xFFFF3000  }
0x79: {  	v0 =	vld [tilespmem:s28+$0x70]  }
0x7a: {  	v1 =	vld [tilespmem:s28+$0xFFFFFF90]  }
0x7b: {  	v2 =	vld [tilespmem:s28+$0xFFFFFFA0]  }
0x7c: {  	v3 =	vld [tilespmem:s28+$0xFFFFFFB0]  }
0x7d: {  	v4 =	vld [tilespmem:s28+$0xFFFFFFC0]  }
0x7e: {  	v5 =	vld [tilespmem:s28+$0xFFFFFFD0];
	v0 =	vmul.f32 $1.000000000e+01, v0  }
0x7f: {  	v6 =	vld [tilespmem:s28+$0xFFFFFFE0];
	v1 =	vmul.f32 $1.000000000e+01, v1  }
0x80: {  	v7 =	vld [tilespmem:s28+$0xFFFFFFF0];
	v2 =	vmul.f32 $1.000000000e+01, v2;
	[tilespmem:s28+$0x70] =	vst v0  }
0x81: {  	[tilespmem:s28+$0xFFFFFF90] =	vst v1;
	v0 =	vmul.f32 $1.000000000e+01, v3;
	v3 =	vld [tilespmem:s28+$0x0]  }
0x82: {  	[tilespmem:s28+$0xFFFFFFA0] =	vst v2;
	v1 =	vmul.f32 $1.000000000e+01, v4;
	v4 =	vld [tilespmem:s28+$0x10]  }
0x83: {  	v8 =	vld [tilespmem:s28+$0x20];
	v2 =	vmul.f32 $1.000000000e+01, v5;
	[tilespmem:s28+$0xFFFFFFB0] =	vst v0  }
0x84: {  	v5 =	vmul.f32 $1.000000000e+01, v6;
	[tilespmem:s28+$0xFFFFFFC0] =	vst v1;
	v0 =	vld [tilespmem:s28+$0x30]  }
0x85: {  	v6 =	vmul.f32 $1.000000000e+01, v7;
	[tilespmem:s28+$0xFFFFFFD0] =	vst v2;
	v1 =	vld [tilespmem:s28+$0x40]  }
0x86: {  	[tilespmem:s28+$0xFFFFFFE0] =	vst v5;
	v2 =	vld [tilespmem:s28+$0x50];
	v7 =	vmul.f32 $1.000000000e+01, v3  }
0x87: {  	[tilespmem:s28+$0xFFFFFFF0] =	vst v6;
	v3 =	vld [tilespmem:s28+$0x60];
	v5 =	vmul.f32 $1.000000000e+01, v4  }
0x88: {  	s29 =	simm.s32 $0x0;
	s30 =	simm.s32 $0x3580;
	v6 =	vmul.f32 $1.000000000e+01, v8;
	v4 =	vld [tilespmem:s28+$0xFFFFFF80];
	[tilespmem:s28+$0x0] =	vst v7  }
.LBB2_6:
0x89: {  	v7 =	vld [tilespmem:s30+$0x70];
	s29 =	sadd.s32 $0x8, s29;
	[tilespmem:s28+$0x10] =	vst v5;
	v0 =	vmul.f32 $1.000000000e+01, v0  }
0x8a: {  	v5 =	vld [tilespmem:s30+$0xFFFFFF90];
	p0 =	slt.u32 s29, $0x678;
	[tilespmem:s28+$0x20] =	vst v6;
	v1 =	vmul.f32 $1.000000000e+01, v1  }
0x8b: {  	v6 =	vld [tilespmem:s30+$0xFFFFFFA0];
	[tilespmem:s28+$0x30] =	vst v0;
	v0 =	vmul.f32 $1.000000000e+01, v2  }
0x8c: {  	v2 =	vld [tilespmem:s30+$0xFFFFFFB0];
	[tilespmem:s28+$0x40] =	vst v1;
	v1 =	vmul.f32 $1.000000000e+01, v3  }
0x8d: {  	v3 =	vld [tilespmem:s30+$0xFFFFFFC0];
	v4 =	vmul.f32 $1.000000000e+01, v4;
	[tilespmem:s28+$0x50] =	vst v0  }
0x8e: {  	v0 =	vld [tilespmem:s30+$0xFFFFFFD0];
	v7 =	vmul.f32 $1.000000000e+01, v7;
	[tilespmem:s28+$0x60] =	vst v1  }
0x8f: {  	v1 =	vmul.f32 $1.000000000e+01, v5;
	v5 =	vld [tilespmem:s30+$0xFFFFFFE0];
	[tilespmem:s28+$0xFFFFFF80] =	vst v4;
	s28 =	smov.u32 s30  }
0x90: {  	v4 =	vmul.f32 $1.000000000e+01, v6;
	v6 =	vld [tilespmem:s30+$0xFFFFFFF0];
	[tilespmem:s30+$0x70] =	vst v7  }
0x91: {  	[tilespmem:s30+$0xFFFFFF90] =	vst v1;
	v1 =	vmul.f32 $1.000000000e+01, v2;
	v2 =	vld [tilespmem:s30+$0x0]  }
0x92: {  	[tilespmem:s30+$0xFFFFFFA0] =	vst v4;
	v3 =	vmul.f32 $1.000000000e+01, v3;
	v4 =	vld [tilespmem:s30+$0x10]  }
0x93: {  	[tilespmem:s30+$0xFFFFFFB0] =	vst v1;
	v1 =	vmul.f32 $1.000000000e+01, v0;
	v7 =	vld [tilespmem:s30+$0x20]  }
.Ltmp2:
0x94: {  	[tilespmem:s30+$0xFFFFFFC0] =	vst v3;
	v3 =	vmul.f32 $1.000000000e+01, v5;
	v0 =	vld [tilespmem:s30+$0x30];
	(pc) =	sbr.rel @p0 .LBB2_6-.Ltmp2, $4  }
0x95: {  	[tilespmem:s30+$0xFFFFFFD0] =	vst v1;
	v5 =	vmul.f32 $1.000000000e+01, v6;
	v1 =	vld [tilespmem:s30+$0x40]  }
0x96: {  	[tilespmem:s30+$0xFFFFFFE0] =	vst v3;
	v6 =	vmul.f32 $1.000000000e+01, v2;
	v2 =	vld [tilespmem:s30+$0x50]  }
0x97: {  	[tilespmem:s30+$0xFFFFFFF0] =	vst v5;
	v5 =	vmul.f32 $1.000000000e+01, v4;
	v3 =	vld [tilespmem:s30+$0x60]  }
0x98: {  	s30 =	sadd.s32 $0x100, s30;
	v4 =	vld [tilespmem:s28+$0xFFFFFF80];
	[tilespmem:s28+$0x0] =	vst v6;
	v6 =	vmul.f32 $1.000000000e+01, v7  }
0x99: {  	[tilespmem:s28+$0x10] =	vst v5;
	v0 =	vmul.f32 $1.000000000e+01, v0  }
0x9a: {  	[tilespmem:s28+$0x20] =	vst v6;
	v1 =	vmul.f32 $1.000000000e+01, v1  }
0x9b: {  	[tilespmem:s28+$0x30] =	vst v0;
	v0 =	vmul.f32 $1.000000000e+01, v2  }
0x9c: {  	[tilespmem:s28+$0x40] =	vst v1;
	v1 =	vmul.f32 $1.000000000e+01, v3  }
0x9d: {  	v2 =	vmul.f32 $1.000000000e+01, v4;
	[tilespmem:s28+$0x50] =	vst v0  }
0x9e: {  	[tilespmem:s28+$0x60] =	vst v1  }
0x9f: {  	[tilespmem:s28+$0xFFFFFF80] =	vst v2  }
0xa0: {  	[hbm4b:s7+s2] =	stream.linear.scatter [tilespmem:s16], [sflag:$0x3], $0xD000, $0x38;
	[tilespmem:$0x1D400] =	vst v63  }
0xa1: {  	_ =	swait.ge [sflag:s14], $0xD000  }
0xa2: {  	[sflag:s14] =	ssyncset.done $0x0  }
0xa3: {  	[sflag:s14] =	ssyncadd.s32 $0xFFFF3000  }
0xa4: {  	[tilespmem:s16], [sflag:$0x1] =	stream.indirect.gather [hbm4b:s3+s15], $0x20, s22, s15, $0xb8;
	[tilespmem:$0x1D400] =	vst v63  }
0xa5: {  	_ =	swait.ge [sflag:s20], $0xD000  }
0xa6: {  	[sflag:s20] =	ssyncset.done $0x0  }
0xa7: {  	s28 =	simm.s32 $0x10480;
	[sflag:s20] =	ssyncadd.s32 $0xFFFF3000  }
0xa8: {  	v0 =	vld [tilespmem:s28+$0x70]  }
0xa9: {  	v1 =	vld [tilespmem:s28+$0xFFFFFF90]  }
0xaa: {  	v2 =	vld [tilespmem:s28+$0xFFFFFFA0]  }
0xab: {  	v3 =	vld [tilespmem:s28+$0xFFFFFFB0]  }
0xac: {  	v4 =	vld [tilespmem:s28+$0xFFFFFFC0]  }
0xad: {  	v5 =	vld [tilespmem:s28+$0xFFFFFFD0];
	v0 =	vmul.f32 $1.000000000e+01, v0  }
0xae: {  	v6 =	vld [tilespmem:s28+$0xFFFFFFE0];
	v1 =	vmul.f32 $1.000000000e+01, v1  }
0xaf: {  	v7 =	vld [tilespmem:s28+$0xFFFFFFF0];
	v2 =	vmul.f32 $1.000000000e+01, v2;
	[tilespmem:s28+$0x70] =	vst v0  }
0xb0: {  	[tilespmem:s28+$0xFFFFFF90] =	vst v1;
	v0 =	vmul.f32 $1.000000000e+01, v3;
	v3 =	vld [tilespmem:s28+$0x0]  }
0xb1: {  	[tilespmem:s28+$0xFFFFFFA0] =	vst v2;
	v1 =	vmul.f32 $1.000000000e+01, v4;
	v4 =	vld [tilespmem:s28+$0x10]  }
0xb2: {  	v8 =	vld [tilespmem:s28+$0x20];
	v2 =	vmul.f32 $1.000000000e+01, v5;
	[tilespmem:s28+$0xFFFFFFB0] =	vst v0  }
0xb3: {  	v5 =	vmul.f32 $1.000000000e+01, v6;
	[tilespmem:s28+$0xFFFFFFC0] =	vst v1;
	v0 =	vld [tilespmem:s28+$0x30]  }
0xb4: {  	v6 =	vmul.f32 $1.000000000e+01, v7;
	[tilespmem:s28+$0xFFFFFFD0] =	vst v2;
	v1 =	vld [tilespmem:s28+$0x40]  }
0xb5: {  	[tilespmem:s28+$0xFFFFFFE0] =	vst v5;
	v2 =	vld [tilespmem:s28+$0x50];
	v7 =	vmul.f32 $1.000000000e+01, v3  }
0xb6: {  	[tilespmem:s28+$0xFFFFFFF0] =	vst v6;
	v3 =	vld [tilespmem:s28+$0x60];
	v5 =	vmul.f32 $1.000000000e+01, v4  }
0xb7: {  	s29 =	simm.s32 $0x0;
	s30 =	simm.s32 $0x10580;
	v6 =	vmul.f32 $1.000000000e+01, v8;
	v4 =	vld [tilespmem:s28+$0xFFFFFF80];
	[tilespmem:s28+$0x0] =	vst v7  }
.LBB2_8:
0xb8: {  	v7 =	vld [tilespmem:s30+$0x70];
	s29 =	sadd.s32 $0x8, s29;
	[tilespmem:s28+$0x10] =	vst v5;
	v0 =	vmul.f32 $1.000000000e+01, v0  }
0xb9: {  	v5 =	vld [tilespmem:s30+$0xFFFFFF90];
	p0 =	slt.u32 s29, $0x678;
	[tilespmem:s28+$0x20] =	vst v6;
	v1 =	vmul.f32 $1.000000000e+01, v1  }
0xba: {  	v6 =	vld [tilespmem:s30+$0xFFFFFFA0];
	[tilespmem:s28+$0x30] =	vst v0;
	v0 =	vmul.f32 $1.000000000e+01, v2  }
0xbb: {  	v2 =	vld [tilespmem:s30+$0xFFFFFFB0];
	[tilespmem:s28+$0x40] =	vst v1;
	v1 =	vmul.f32 $1.000000000e+01, v3  }
0xbc: {  	v3 =	vld [tilespmem:s30+$0xFFFFFFC0];
	v4 =	vmul.f32 $1.000000000e+01, v4;
	[tilespmem:s28+$0x50] =	vst v0  }
0xbd: {  	v0 =	vld [tilespmem:s30+$0xFFFFFFD0];
	v7 =	vmul.f32 $1.000000000e+01, v7;
	[tilespmem:s28+$0x60] =	vst v1  }
0xbe: {  	v1 =	vmul.f32 $1.000000000e+01, v5;
	v5 =	vld [tilespmem:s30+$0xFFFFFFE0];
	[tilespmem:s28+$0xFFFFFF80] =	vst v4;
	s28 =	smov.u32 s30  }
0xbf: {  	v4 =	vmul.f32 $1.000000000e+01, v6;
	v6 =	vld [tilespmem:s30+$0xFFFFFFF0];
	[tilespmem:s30+$0x70] =	vst v7  }
0xc0: {  	[tilespmem:s30+$0xFFFFFF90] =	vst v1;
	v1 =	vmul.f32 $1.000000000e+01, v2;
	v2 =	vld [tilespmem:s30+$0x0]  }
0xc1: {  	[tilespmem:s30+$0xFFFFFFA0] =	vst v4;
	v3 =	vmul.f32 $1.000000000e+01, v3;
	v4 =	vld [tilespmem:s30+$0x10]  }
0xc2: {  	[tilespmem:s30+$0xFFFFFFB0] =	vst v1;
	v1 =	vmul.f32 $1.000000000e+01, v0;
	v7 =	vld [tilespmem:s30+$0x20]  }
.Ltmp3:
0xc3: {  	[tilespmem:s30+$0xFFFFFFC0] =	vst v3;
	v3 =	vmul.f32 $1.000000000e+01, v5;
	v0 =	vld [tilespmem:s30+$0x30];
	(pc) =	sbr.rel @p0 .LBB2_8-.Ltmp3, $4  }
0xc4: {  	[tilespmem:s30+$0xFFFFFFD0] =	vst v1;
	v5 =	vmul.f32 $1.000000000e+01, v6;
	v1 =	vld [tilespmem:s30+$0x40]  }
0xc5: {  	[tilespmem:s30+$0xFFFFFFE0] =	vst v3;
	v6 =	vmul.f32 $1.000000000e+01, v2;
	v2 =	vld [tilespmem:s30+$0x50]  }
0xc6: {  	[tilespmem:s30+$0xFFFFFFF0] =	vst v5;
	v5 =	vmul.f32 $1.000000000e+01, v4;
	v3 =	vld [tilespmem:s30+$0x60]  }
0xc7: {  	s30 =	sadd.s32 $0x100, s30;
	v4 =	vld [tilespmem:s28+$0xFFFFFF80];
	[tilespmem:s28+$0x0] =	vst v6;
	v6 =	vmul.f32 $1.000000000e+01, v7  }
0xc8: {  	[tilespmem:s28+$0x10] =	vst v5;
	v0 =	vmul.f32 $1.000000000e+01, v0  }
0xc9: {  	[tilespmem:s28+$0x20] =	vst v6;
	v1 =	vmul.f32 $1.000000000e+01, v1  }
0xca: {  	[tilespmem:s28+$0x30] =	vst v0;
	v0 =	vmul.f32 $1.000000000e+01, v2  }
0xcb: {  	[tilespmem:s28+$0x40] =	vst v1;
	v1 =	vmul.f32 $1.000000000e+01, v3  }
0xcc: {  	v2 =	vmul.f32 $1.000000000e+01, v4;
	[tilespmem:s28+$0x50] =	vst v0  }
0xcd: {  	[tilespmem:s28+$0x60] =	vst v1  }
0xce: {  	[tilespmem:s28+$0xFFFFFF80] =	vst v2  }
0xcf: {  	[hbm4b:s8+s2] =	stream.linear.scatter [tilespmem:s17], [sflag:$0x3], $0xD000, $0x38;
	[tilespmem:$0x1D400] =	vst v63  }
0xd0: {  	_ =	swait.ge [sflag:s14], $0xD000  }
0xd1: {  	[sflag:s14] =	ssyncset.done $0x0  }
0xd2: {  	[sflag:s14] =	ssyncadd.s32 $0xFFFF3000  }
0xd3: {  	[tilespmem:s17], [sflag:$0x2] =	stream.indirect.gather [hbm4b:s3+s15], $0x20, s23, s15, $0xb8;
	[tilespmem:$0x1D400] =	vst v63  }
0xd4: {  	_ =	swait.ge [sflag:s18], $0xD000  }
0xd5: {  	[sflag:s18] =	ssyncset.done $0x0  }
0xd6: {  	s28 =	simm.s32 $0x3480;
	[sflag:s18] =	ssyncadd.s32 $0xFFFF3000  }
0xd7: {  	v0 =	vld [tilespmem:s28+$0x70]  }
0xd8: {  	v1 =	vld [tilespmem:s28+$0xFFFFFF90]  }
0xd9: {  	v2 =	vld [tilespmem:s28+$0xFFFFFFA0]  }
0xda: {  	v3 =	vld [tilespmem:s28+$0xFFFFFFB0]  }
0xdb: {  	v4 =	vld [tilespmem:s28+$0xFFFFFFC0]  }
0xdc: {  	v5 =	vld [tilespmem:s28+$0xFFFFFFD0];
	v0 =	vmul.f32 $1.000000000e+01, v0  }
0xdd: {  	v6 =	vld [tilespmem:s28+$0xFFFFFFE0];
	v1 =	vmul.f32 $1.000000000e+01, v1  }
0xde: {  	v7 =	vld [tilespmem:s28+$0xFFFFFFF0];
	v2 =	vmul.f32 $1.000000000e+01, v2;
	[tilespmem:s28+$0x70] =	vst v0  }
0xdf: {  	[tilespmem:s28+$0xFFFFFF90] =	vst v1;
	v0 =	vmul.f32 $1.000000000e+01, v3;
	v3 =	vld [tilespmem:s28+$0x0]  }
0xe0: {  	[tilespmem:s28+$0xFFFFFFA0] =	vst v2;
	v1 =	vmul.f32 $1.000000000e+01, v4;
	v4 =	vld [tilespmem:s28+$0x10]  }
0xe1: {  	v8 =	vld [tilespmem:s28+$0x20];
	v2 =	vmul.f32 $1.000000000e+01, v5;
	[tilespmem:s28+$0xFFFFFFB0] =	vst v0  }
0xe2: {  	v5 =	vmul.f32 $1.000000000e+01, v6;
	[tilespmem:s28+$0xFFFFFFC0] =	vst v1;
	v0 =	vld [tilespmem:s28+$0x30]  }
0xe3: {  	v6 =	vmul.f32 $1.000000000e+01, v7;
	[tilespmem:s28+$0xFFFFFFD0] =	vst v2;
	v1 =	vld [tilespmem:s28+$0x40]  }
0xe4: {  	[tilespmem:s28+$0xFFFFFFE0] =	vst v5;
	v2 =	vld [tilespmem:s28+$0x50];
	v7 =	vmul.f32 $1.000000000e+01, v3  }
0xe5: {  	[tilespmem:s28+$0xFFFFFFF0] =	vst v6;
	v3 =	vld [tilespmem:s28+$0x60];
	v5 =	vmul.f32 $1.000000000e+01, v4  }
0xe6: {  	s29 =	simm.s32 $0x0;
	s30 =	simm.s32 $0x3580;
	v6 =	vmul.f32 $1.000000000e+01, v8;
	v4 =	vld [tilespmem:s28+$0xFFFFFF80];
	[tilespmem:s28+$0x0] =	vst v7  }
.LBB2_10:
0xe7: {  	v7 =	vld [tilespmem:s30+$0x70];
	s29 =	sadd.s32 $0x8, s29;
	[tilespmem:s28+$0x10] =	vst v5;
	v0 =	vmul.f32 $1.000000000e+01, v0  }
0xe8: {  	v5 =	vld [tilespmem:s30+$0xFFFFFF90];
	p0 =	slt.u32 s29, $0x678;
	[tilespmem:s28+$0x20] =	vst v6;
	v1 =	vmul.f32 $1.000000000e+01, v1  }
0xe9: {  	v6 =	vld [tilespmem:s30+$0xFFFFFFA0];
	[tilespmem:s28+$0x30] =	vst v0;
	v0 =	vmul.f32 $1.000000000e+01, v2  }
0xea: {  	v2 =	vld [tilespmem:s30+$0xFFFFFFB0];
	[tilespmem:s28+$0x40] =	vst v1;
	v1 =	vmul.f32 $1.000000000e+01, v3  }
0xeb: {  	v3 =	vld [tilespmem:s30+$0xFFFFFFC0];
	v4 =	vmul.f32 $1.000000000e+01, v4;
	[tilespmem:s28+$0x50] =	vst v0  }
0xec: {  	v0 =	vld [tilespmem:s30+$0xFFFFFFD0];
	v7 =	vmul.f32 $1.000000000e+01, v7;
	[tilespmem:s28+$0x60] =	vst v1  }
0xed: {  	v1 =	vmul.f32 $1.000000000e+01, v5;
	v5 =	vld [tilespmem:s30+$0xFFFFFFE0];
	[tilespmem:s28+$0xFFFFFF80] =	vst v4;
	s28 =	smov.u32 s30  }
0xee: {  	v4 =	vmul.f32 $1.000000000e+01, v6;
	v6 =	vld [tilespmem:s30+$0xFFFFFFF0];
	[tilespmem:s30+$0x70] =	vst v7  }
0xef: {  	[tilespmem:s30+$0xFFFFFF90] =	vst v1;
	v1 =	vmul.f32 $1.000000000e+01, v2;
	v2 =	vld [tilespmem:s30+$0x0]  }
0xf0: {  	[tilespmem:s30+$0xFFFFFFA0] =	vst v4;
	v3 =	vmul.f32 $1.000000000e+01, v3;
	v4 =	vld [tilespmem:s30+$0x10]  }
0xf1: {  	[tilespmem:s30+$0xFFFFFFB0] =	vst v1;
	v1 =	vmul.f32 $1.000000000e+01, v0;
	v7 =	vld [tilespmem:s30+$0x20]  }
.Ltmp4:
0xf2: {  	[tilespmem:s30+$0xFFFFFFC0] =	vst v3;
	v3 =	vmul.f32 $1.000000000e+01, v5;
	v0 =	vld [tilespmem:s30+$0x30];
	(pc) =	sbr.rel @p0 .LBB2_10-.Ltmp4, $4  }
0xf3: {  	[tilespmem:s30+$0xFFFFFFD0] =	vst v1;
	v5 =	vmul.f32 $1.000000000e+01, v6;
	v1 =	vld [tilespmem:s30+$0x40]  }
0xf4: {  	[tilespmem:s30+$0xFFFFFFE0] =	vst v3;
	v6 =	vmul.f32 $1.000000000e+01, v2;
	v2 =	vld [tilespmem:s30+$0x50]  }
0xf5: {  	[tilespmem:s30+$0xFFFFFFF0] =	vst v5;
	v5 =	vmul.f32 $1.000000000e+01, v4;
	v3 =	vld [tilespmem:s30+$0x60]  }
0xf6: {  	s30 =	sadd.s32 $0x100, s30;
	v4 =	vld [tilespmem:s28+$0xFFFFFF80];
	[tilespmem:s28+$0x0] =	vst v6;
	v6 =	vmul.f32 $1.000000000e+01, v7  }
0xf7: {  	[tilespmem:s28+$0x10] =	vst v5;
	v0 =	vmul.f32 $1.000000000e+01, v0  }
0xf8: {  	[tilespmem:s28+$0x20] =	vst v6;
	v1 =	vmul.f32 $1.000000000e+01, v1  }
0xf9: {  	[tilespmem:s28+$0x30] =	vst v0;
	v0 =	vmul.f32 $1.000000000e+01, v2  }
0xfa: {  	[tilespmem:s28+$0x40] =	vst v1;
	v1 =	vmul.f32 $1.000000000e+01, v3  }
0xfb: {  	v2 =	vmul.f32 $1.000000000e+01, v4;
	[tilespmem:s28+$0x50] =	vst v0  }
0xfc: {  	[tilespmem:s28+$0x60] =	vst v1  }
0xfd: {  	[tilespmem:s28+$0xFFFFFF80] =	vst v2  }
0xfe: {  	[hbm4b:s9+s2] =	stream.linear.scatter [tilespmem:s16], [sflag:$0x3], $0xD000, $0x38;
	[tilespmem:$0x1D400] =	vst v63  }
0xff: {  	_ =	swait.ge [sflag:s14], $0xD000  }
0x100: {  	[sflag:s14] =	ssyncset.done $0x0  }
0x101: {  	[sflag:s14] =	ssyncadd.s32 $0xFFFF3000  }
0x102: {  	[tilespmem:s16], [sflag:$0x1] =	stream.indirect.gather [hbm4b:s3+s15], $0x20, s24, s15, $0xb8;
	[tilespmem:$0x1D400] =	vst v63  }
0x103: {  	_ =	swait.ge [sflag:s20], $0xD000  }
0x104: {  	[sflag:s20] =	ssyncset.done $0x0  }
0x105: {  	s28 =	simm.s32 $0x10480;
	[sflag:s20] =	ssyncadd.s32 $0xFFFF3000  }
0x106: {  	v0 =	vld [tilespmem:s28+$0x70]  }
0x107: {  	v1 =	vld [tilespmem:s28+$0xFFFFFF90]  }
0x108: {  	v2 =	vld [tilespmem:s28+$0xFFFFFFA0]  }
0x109: {  	v3 =	vld [tilespmem:s28+$0xFFFFFFB0]  }
0x10a: {  	v4 =	vld [tilespmem:s28+$0xFFFFFFC0]  }
0x10b: {  	v5 =	vld [tilespmem:s28+$0xFFFFFFD0];
	v0 =	vmul.f32 $1.000000000e+01, v0  }
0x10c: {  	v6 =	vld [tilespmem:s28+$0xFFFFFFE0];
	v1 =	vmul.f32 $1.000000000e+01, v1  }
0x10d: {  	v7 =	vld [tilespmem:s28+$0xFFFFFFF0];
	v2 =	vmul.f32 $1.000000000e+01, v2;
	[tilespmem:s28+$0x70] =	vst v0  }
0x10e: {  	[tilespmem:s28+$0xFFFFFF90] =	vst v1;
	v0 =	vmul.f32 $1.000000000e+01, v3;
	v3 =	vld [tilespmem:s28+$0x0]  }
0x10f: {  	[tilespmem:s28+$0xFFFFFFA0] =	vst v2;
	v1 =	vmul.f32 $1.000000000e+01, v4;
	v4 =	vld [tilespmem:s28+$0x10]  }
0x110: {  	v8 =	vld [tilespmem:s28+$0x20];
	v2 =	vmul.f32 $1.000000000e+01, v5;
	[tilespmem:s28+$0xFFFFFFB0] =	vst v0  }
0x111: {  	v5 =	vmul.f32 $1.000000000e+01, v6;
	[tilespmem:s28+$0xFFFFFFC0] =	vst v1;
	v0 =	vld [tilespmem:s28+$0x30]  }
0x112: {  	v6 =	vmul.f32 $1.000000000e+01, v7;
	[tilespmem:s28+$0xFFFFFFD0] =	vst v2;
	v1 =	vld [tilespmem:s28+$0x40]  }
0x113: {  	[tilespmem:s28+$0xFFFFFFE0] =	vst v5;
	v2 =	vld [tilespmem:s28+$0x50];
	v7 =	vmul.f32 $1.000000000e+01, v3  }
0x114: {  	[tilespmem:s28+$0xFFFFFFF0] =	vst v6;
	v3 =	vld [tilespmem:s28+$0x60];
	v5 =	vmul.f32 $1.000000000e+01, v4  }
0x115: {  	s29 =	simm.s32 $0x0;
	s30 =	simm.s32 $0x10580;
	v6 =	vmul.f32 $1.000000000e+01, v8;
	v4 =	vld [tilespmem:s28+$0xFFFFFF80];
	[tilespmem:s28+$0x0] =	vst v7  }
.LBB2_12:
0x116: {  	v7 =	vld [tilespmem:s30+$0x70];
	s29 =	sadd.s32 $0x8, s29;
	[tilespmem:s28+$0x10] =	vst v5;
	v0 =	vmul.f32 $1.000000000e+01, v0  }
0x117: {  	v5 =	vld [tilespmem:s30+$0xFFFFFF90];
	p0 =	slt.u32 s29, $0x678;
	[tilespmem:s28+$0x20] =	vst v6;
	v1 =	vmul.f32 $1.000000000e+01, v1  }
0x118: {  	v6 =	vld [tilespmem:s30+$0xFFFFFFA0];
	[tilespmem:s28+$0x30] =	vst v0;
	v0 =	vmul.f32 $1.000000000e+01, v2  }
0x119: {  	v2 =	vld [tilespmem:s30+$0xFFFFFFB0];
	[tilespmem:s28+$0x40] =	vst v1;
	v1 =	vmul.f32 $1.000000000e+01, v3  }
0x11a: {  	v3 =	vld [tilespmem:s30+$0xFFFFFFC0];
	v4 =	vmul.f32 $1.000000000e+01, v4;
	[tilespmem:s28+$0x50] =	vst v0  }
0x11b: {  	v0 =	vld [tilespmem:s30+$0xFFFFFFD0];
	v7 =	vmul.f32 $1.000000000e+01, v7;
	[tilespmem:s28+$0x60] =	vst v1  }
0x11c: {  	v1 =	vmul.f32 $1.000000000e+01, v5;
	v5 =	vld [tilespmem:s30+$0xFFFFFFE0];
	[tilespmem:s28+$0xFFFFFF80] =	vst v4;
	s28 =	smov.u32 s30  }
0x11d: {  	v4 =	vmul.f32 $1.000000000e+01, v6;
	v6 =	vld [tilespmem:s30+$0xFFFFFFF0];
	[tilespmem:s30+$0x70] =	vst v7  }
0x11e: {  	[tilespmem:s30+$0xFFFFFF90] =	vst v1;
	v1 =	vmul.f32 $1.000000000e+01, v2;
	v2 =	vld [tilespmem:s30+$0x0]  }
0x11f: {  	[tilespmem:s30+$0xFFFFFFA0] =	vst v4;
	v3 =	vmul.f32 $1.000000000e+01, v3;
	v4 =	vld [tilespmem:s30+$0x10]  }
0x120: {  	[tilespmem:s30+$0xFFFFFFB0] =	vst v1;
	v1 =	vmul.f32 $1.000000000e+01, v0;
	v7 =	vld [tilespmem:s30+$0x20]  }
.Ltmp5:
0x121: {  	[tilespmem:s30+$0xFFFFFFC0] =	vst v3;
	v3 =	vmul.f32 $1.000000000e+01, v5;
	v0 =	vld [tilespmem:s30+$0x30];
	(pc) =	sbr.rel @p0 .LBB2_12-.Ltmp5, $4  }
0x122: {  	[tilespmem:s30+$0xFFFFFFD0] =	vst v1;
	v5 =	vmul.f32 $1.000000000e+01, v6;
	v1 =	vld [tilespmem:s30+$0x40]  }
0x123: {  	[tilespmem:s30+$0xFFFFFFE0] =	vst v3;
	v6 =	vmul.f32 $1.000000000e+01, v2;
	v2 =	vld [tilespmem:s30+$0x50]  }
0x124: {  	[tilespmem:s30+$0xFFFFFFF0] =	vst v5;
	v5 =	vmul.f32 $1.000000000e+01, v4;
	v3 =	vld [tilespmem:s30+$0x60]  }
0x125: {  	s30 =	sadd.s32 $0x100, s30;
	v4 =	vld [tilespmem:s28+$0xFFFFFF80];
	[tilespmem:s28+$0x0] =	vst v6;
	v6 =	vmul.f32 $1.000000000e+01, v7  }
0x126: {  	[tilespmem:s28+$0x10] =	vst v5;
	v0 =	vmul.f32 $1.000000000e+01, v0  }
0x127: {  	[tilespmem:s28+$0x20] =	vst v6;
	v1 =	vmul.f32 $1.000000000e+01, v1  }
0x128: {  	[tilespmem:s28+$0x30] =	vst v0;
	v0 =	vmul.f32 $1.000000000e+01, v2  }
0x129: {  	[tilespmem:s28+$0x40] =	vst v1;
	v1 =	vmul.f32 $1.000000000e+01, v3  }
0x12a: {  	v2 =	vmul.f32 $1.000000000e+01, v4;
	[tilespmem:s28+$0x50] =	vst v0  }
0x12b: {  	[tilespmem:s28+$0x60] =	vst v1  }
0x12c: {  	[tilespmem:s28+$0xFFFFFF80] =	vst v2  }
0x12d: {  	[hbm4b:s10+s2] =	stream.linear.scatter [tilespmem:s17], [sflag:$0x3], $0xD000, $0x38;
	[tilespmem:$0x1D400] =	vst v63  }
0x12e: {  	_ =	swait.ge [sflag:s14], $0xD000  }
0x12f: {  	[sflag:s14] =	ssyncset.done $0x0  }
0x130: {  	[sflag:s14] =	ssyncadd.s32 $0xFFFF3000  }
0x131: {  	[tilespmem:s17], [sflag:$0x2] =	stream.indirect.gather [hbm4b:s3+s15], $0x20, s25, s15, $0xb8;
	[tilespmem:$0x1D400] =	vst v63  }
0x132: {  	_ =	swait.ge [sflag:s18], $0xD000  }
0x133: {  	[sflag:s18] =	ssyncset.done $0x0  }
0x134: {  	s28 =	simm.s32 $0x3480;
	[sflag:s18] =	ssyncadd.s32 $0xFFFF3000  }
0x135: {  	v0 =	vld [tilespmem:s28+$0x70]  }
0x136: {  	v1 =	vld [tilespmem:s28+$0xFFFFFF90]  }
0x137: {  	v2 =	vld [tilespmem:s28+$0xFFFFFFA0]  }
0x138: {  	v3 =	vld [tilespmem:s28+$0xFFFFFFB0]  }
0x139: {  	v4 =	vld [tilespmem:s28+$0xFFFFFFC0]  }
0x13a: {  	v5 =	vld [tilespmem:s28+$0xFFFFFFD0];
	v0 =	vmul.f32 $1.000000000e+01, v0  }
0x13b: {  	v6 =	vld [tilespmem:s28+$0xFFFFFFE0];
	v1 =	vmul.f32 $1.000000000e+01, v1  }
0x13c: {  	v7 =	vld [tilespmem:s28+$0xFFFFFFF0];
	v2 =	vmul.f32 $1.000000000e+01, v2;
	[tilespmem:s28+$0x70] =	vst v0  }
0x13d: {  	[tilespmem:s28+$0xFFFFFF90] =	vst v1;
	v0 =	vmul.f32 $1.000000000e+01, v3;
	v3 =	vld [tilespmem:s28+$0x0]  }
0x13e: {  	[tilespmem:s28+$0xFFFFFFA0] =	vst v2;
	v1 =	vmul.f32 $1.000000000e+01, v4;
	v4 =	vld [tilespmem:s28+$0x10]  }
0x13f: {  	v8 =	vld [tilespmem:s28+$0x20];
	v2 =	vmul.f32 $1.000000000e+01, v5;
	[tilespmem:s28+$0xFFFFFFB0] =	vst v0  }
0x140: {  	v5 =	vmul.f32 $1.000000000e+01, v6;
	[tilespmem:s28+$0xFFFFFFC0] =	vst v1;
	v0 =	vld [tilespmem:s28+$0x30]  }
0x141: {  	v6 =	vmul.f32 $1.000000000e+01, v7;
	[tilespmem:s28+$0xFFFFFFD0] =	vst v2;
	v1 =	vld [tilespmem:s28+$0x40]  }
0x142: {  	[tilespmem:s28+$0xFFFFFFE0] =	vst v5;
	v2 =	vld [tilespmem:s28+$0x50];
	v7 =	vmul.f32 $1.000000000e+01, v3  }
0x143: {  	[tilespmem:s28+$0xFFFFFFF0] =	vst v6;
	v3 =	vld [tilespmem:s28+$0x60];
	v5 =	vmul.f32 $1.000000000e+01, v4  }
0x144: {  	s29 =	simm.s32 $0x0;
	s30 =	simm.s32 $0x3580;
	v6 =	vmul.f32 $1.000000000e+01, v8;
	v4 =	vld [tilespmem:s28+$0xFFFFFF80];
	[tilespmem:s28+$0x0] =	vst v7  }
.LBB2_14:
0x145: {  	v7 =	vld [tilespmem:s30+$0x70];
	s29 =	sadd.s32 $0x8, s29;
	[tilespmem:s28+$0x10] =	vst v5;
	v0 =	vmul.f32 $1.000000000e+01, v0  }
0x146: {  	v5 =	vld [tilespmem:s30+$0xFFFFFF90];
	p0 =	slt.u32 s29, $0x678;
	[tilespmem:s28+$0x20] =	vst v6;
	v1 =	vmul.f32 $1.000000000e+01, v1  }
0x147: {  	v6 =	vld [tilespmem:s30+$0xFFFFFFA0];
	[tilespmem:s28+$0x30] =	vst v0;
	v0 =	vmul.f32 $1.000000000e+01, v2  }
0x148: {  	v2 =	vld [tilespmem:s30+$0xFFFFFFB0];
	[tilespmem:s28+$0x40] =	vst v1;
	v1 =	vmul.f32 $1.000000000e+01, v3  }
0x149: {  	v3 =	vld [tilespmem:s30+$0xFFFFFFC0];
	v4 =	vmul.f32 $1.000000000e+01, v4;
	[tilespmem:s28+$0x50] =	vst v0  }
0x14a: {  	v0 =	vld [tilespmem:s30+$0xFFFFFFD0];
	v7 =	vmul.f32 $1.000000000e+01, v7;
	[tilespmem:s28+$0x60] =	vst v1  }
0x14b: {  	v1 =	vmul.f32 $1.000000000e+01, v5;
	v5 =	vld [tilespmem:s30+$0xFFFFFFE0];
	[tilespmem:s28+$0xFFFFFF80] =	vst v4;
	s28 =	smov.u32 s30  }
0x14c: {  	v4 =	vmul.f32 $1.000000000e+01, v6;
	v6 =	vld [tilespmem:s30+$0xFFFFFFF0];
	[tilespmem:s30+$0x70] =	vst v7  }
0x14d: {  	[tilespmem:s30+$0xFFFFFF90] =	vst v1;
	v1 =	vmul.f32 $1.000000000e+01, v2;
	v2 =	vld [tilespmem:s30+$0x0]  }
0x14e: {  	[tilespmem:s30+$0xFFFFFFA0] =	vst v4;
	v3 =	vmul.f32 $1.000000000e+01, v3;
	v4 =	vld [tilespmem:s30+$0x10]  }
0x14f: {  	[tilespmem:s30+$0xFFFFFFB0] =	vst v1;
	v1 =	vmul.f32 $1.000000000e+01, v0;
	v7 =	vld [tilespmem:s30+$0x20]  }
.Ltmp6:
0x150: {  	[tilespmem:s30+$0xFFFFFFC0] =	vst v3;
	v3 =	vmul.f32 $1.000000000e+01, v5;
	v0 =	vld [tilespmem:s30+$0x30];
	(pc) =	sbr.rel @p0 .LBB2_14-.Ltmp6, $4  }
0x151: {  	[tilespmem:s30+$0xFFFFFFD0] =	vst v1;
	v5 =	vmul.f32 $1.000000000e+01, v6;
	v1 =	vld [tilespmem:s30+$0x40]  }
0x152: {  	[tilespmem:s30+$0xFFFFFFE0] =	vst v3;
	v6 =	vmul.f32 $1.000000000e+01, v2;
	v2 =	vld [tilespmem:s30+$0x50]  }
0x153: {  	[tilespmem:s30+$0xFFFFFFF0] =	vst v5;
	v5 =	vmul.f32 $1.000000000e+01, v4;
	v3 =	vld [tilespmem:s30+$0x60]  }
0x154: {  	s30 =	sadd.s32 $0x100, s30;
	v4 =	vld [tilespmem:s28+$0xFFFFFF80];
	[tilespmem:s28+$0x0] =	vst v6;
	v6 =	vmul.f32 $1.000000000e+01, v7  }
0x155: {  	[tilespmem:s28+$0x10] =	vst v5;
	v0 =	vmul.f32 $1.000000000e+01, v0  }
0x156: {  	[tilespmem:s28+$0x20] =	vst v6;
	v1 =	vmul.f32 $1.000000000e+01, v1  }
0x157: {  	[tilespmem:s28+$0x30] =	vst v0;
	v0 =	vmul.f32 $1.000000000e+01, v2  }
0x158: {  	[tilespmem:s28+$0x40] =	vst v1;
	v1 =	vmul.f32 $1.000000000e+01, v3  }
0x159: {  	v2 =	vmul.f32 $1.000000000e+01, v4;
	[tilespmem:s28+$0x50] =	vst v0  }
0x15a: {  	[tilespmem:s28+$0x60] =	vst v1  }
0x15b: {  	[tilespmem:s28+$0xFFFFFF80] =	vst v2  }
0x15c: {  	[hbm4b:s11+s2] =	stream.linear.scatter [tilespmem:s16], [sflag:$0x3], $0xD000, $0x38;
	[tilespmem:$0x1D400] =	vst v63  }
0x15d: {  	_ =	swait.ge [sflag:s14], $0xD000  }
0x15e: {  	[sflag:s14] =	ssyncset.done $0x0  }
0x15f: {  	[sflag:s14] =	ssyncadd.s32 $0xFFFF3000  }
0x160: {  	_ =	swait.ge [sflag:s20], $0xD000  }
0x161: {  	[sflag:s20] =	ssyncset.done $0x0  }
0x162: {  	s28 =	simm.s32 $0x10480;
	[sflag:s20] =	ssyncadd.s32 $0xFFFF3000  }
0x163: {  	v0 =	vld [tilespmem:s28+$0x70]  }
0x164: {  	v1 =	vld [tilespmem:s28+$0xFFFFFF90]  }
0x165: {  	v2 =	vld [tilespmem:s28+$0xFFFFFFA0]  }
0x166: {  	v3 =	vld [tilespmem:s28+$0xFFFFFFB0]  }
0x167: {  	v4 =	vld [tilespmem:s28+$0xFFFFFFC0]  }
0x168: {  	v5 =	vld [tilespmem:s28+$0xFFFFFFD0];
	v0 =	vmul.f32 $1.000000000e+01, v0  }
0x169: {  	v6 =	vld [tilespmem:s28+$0xFFFFFFE0];
	v1 =	vmul.f32 $1.000000000e+01, v1  }
0x16a: {  	v7 =	vld [tilespmem:s28+$0xFFFFFFF0];
	v2 =	vmul.f32 $1.000000000e+01, v2;
	[tilespmem:s28+$0x70] =	vst v0  }
0x16b: {  	[tilespmem:s28+$0xFFFFFF90] =	vst v1;
	v0 =	vmul.f32 $1.000000000e+01, v3;
	v3 =	vld [tilespmem:s28+$0x0]  }
0x16c: {  	[tilespmem:s28+$0xFFFFFFA0] =	vst v2;
	v1 =	vmul.f32 $1.000000000e+01, v4;
	v4 =	vld [tilespmem:s28+$0x10]  }
0x16d: {  	v8 =	vld [tilespmem:s28+$0x20];
	v2 =	vmul.f32 $1.000000000e+01, v5;
	[tilespmem:s28+$0xFFFFFFB0] =	vst v0  }
0x16e: {  	v5 =	vmul.f32 $1.000000000e+01, v6;
	[tilespmem:s28+$0xFFFFFFC0] =	vst v1;
	v0 =	vld [tilespmem:s28+$0x30]  }
0x16f: {  	v6 =	vmul.f32 $1.000000000e+01, v7;
	[tilespmem:s28+$0xFFFFFFD0] =	vst v2;
	v1 =	vld [tilespmem:s28+$0x40]  }
0x170: {  	[tilespmem:s28+$0xFFFFFFE0] =	vst v5;
	v2 =	vld [tilespmem:s28+$0x50];
	v7 =	vmul.f32 $1.000000000e+01, v3  }
0x171: {  	[tilespmem:s28+$0xFFFFFFF0] =	vst v6;
	v3 =	vld [tilespmem:s28+$0x60];
	v5 =	vmul.f32 $1.000000000e+01, v4  }
0x172: {  	s29 =	simm.s32 $0x0;
	s30 =	simm.s32 $0x10580;
	v6 =	vmul.f32 $1.000000000e+01, v8;
	v4 =	vld [tilespmem:s28+$0xFFFFFF80];
	[tilespmem:s28+$0x0] =	vst v7  }
.LBB2_16:
0x173: {  	v7 =	vld [tilespmem:s30+$0x70];
	s29 =	sadd.s32 $0x8, s29;
	[tilespmem:s28+$0x10] =	vst v5;
	v0 =	vmul.f32 $1.000000000e+01, v0  }
0x174: {  	v5 =	vld [tilespmem:s30+$0xFFFFFF90];
	p0 =	slt.u32 s29, $0x678;
	[tilespmem:s28+$0x20] =	vst v6;
	v1 =	vmul.f32 $1.000000000e+01, v1  }
0x175: {  	v6 =	vld [tilespmem:s30+$0xFFFFFFA0];
	[tilespmem:s28+$0x30] =	vst v0;
	v0 =	vmul.f32 $1.000000000e+01, v2  }
0x176: {  	v2 =	vld [tilespmem:s30+$0xFFFFFFB0];
	[tilespmem:s28+$0x40] =	vst v1;
	v1 =	vmul.f32 $1.000000000e+01, v3  }
0x177: {  	v3 =	vld [tilespmem:s30+$0xFFFFFFC0];
	v4 =	vmul.f32 $1.000000000e+01, v4;
	[tilespmem:s28+$0x50] =	vst v0  }
0x178: {  	v0 =	vld [tilespmem:s30+$0xFFFFFFD0];
	v7 =	vmul.f32 $1.000000000e+01, v7;
	[tilespmem:s28+$0x60] =	vst v1  }
0x179: {  	v1 =	vmul.f32 $1.000000000e+01, v5;
	v5 =	vld [tilespmem:s30+$0xFFFFFFE0];
	[tilespmem:s28+$0xFFFFFF80] =	vst v4;
	s28 =	smov.u32 s30  }
0x17a: {  	v4 =	vmul.f32 $1.000000000e+01, v6;
	v6 =	vld [tilespmem:s30+$0xFFFFFFF0];
	[tilespmem:s30+$0x70] =	vst v7  }
0x17b: {  	[tilespmem:s30+$0xFFFFFF90] =	vst v1;
	v1 =	vmul.f32 $1.000000000e+01, v2;
	v2 =	vld [tilespmem:s30+$0x0]  }
0x17c: {  	[tilespmem:s30+$0xFFFFFFA0] =	vst v4;
	v3 =	vmul.f32 $1.000000000e+01, v3;
	v4 =	vld [tilespmem:s30+$0x10]  }
0x17d: {  	[tilespmem:s30+$0xFFFFFFB0] =	vst v1;
	v1 =	vmul.f32 $1.000000000e+01, v0;
	v7 =	vld [tilespmem:s30+$0x20]  }
.Ltmp7:
0x17e: {  	[tilespmem:s30+$0xFFFFFFC0] =	vst v3;
	v3 =	vmul.f32 $1.000000000e+01, v5;
	v0 =	vld [tilespmem:s30+$0x30];
	(pc) =	sbr.rel @p0 .LBB2_16-.Ltmp7, $4  }
0x17f: {  	[tilespmem:s30+$0xFFFFFFD0] =	vst v1;
	v5 =	vmul.f32 $1.000000000e+01, v6;
	v1 =	vld [tilespmem:s30+$0x40]  }
0x180: {  	[tilespmem:s30+$0xFFFFFFE0] =	vst v3;
	v6 =	vmul.f32 $1.000000000e+01, v2;
	v2 =	vld [tilespmem:s30+$0x50]  }
0x181: {  	[tilespmem:s30+$0xFFFFFFF0] =	vst v5;
	v5 =	vmul.f32 $1.000000000e+01, v4;
	v3 =	vld [tilespmem:s30+$0x60]  }
0x182: {  	s30 =	sadd.s32 $0x100, s30;
	v4 =	vld [tilespmem:s28+$0xFFFFFF80];
	[tilespmem:s28+$0x0] =	vst v6;
	v6 =	vmul.f32 $1.000000000e+01, v7  }
0x183: {  	[tilespmem:s28+$0x10] =	vst v5;
	v0 =	vmul.f32 $1.000000000e+01, v0  }
0x184: {  	[tilespmem:s28+$0x20] =	vst v6;
	v1 =	vmul.f32 $1.000000000e+01, v1  }
0x185: {  	[tilespmem:s28+$0x30] =	vst v0;
	v61 =	vmul.f32 $1.000000000e+01, v2  }
0x186: {  	[tilespmem:s28+$0x40] =	vst v1;
	v62 =	vmul.f32 $1.000000000e+01, v3  }
0x187: {  	s26 =	sadd.s32 $0x1, s26;
	v63 =	vmul.f32 $1.000000000e+01, v4;
	[tilespmem:s28+$0x50] =	vst v61  }
0x188: {  	p0 =	sne.s32 s26, s13;
	[tilespmem:s28+$0x60] =	vst v62  }
.Ltmp8:
0x189: {  	[tilespmem:s28+$0xFFFFFF80] =	vst v63;
	(pc) =	sbr.rel @p0 .LBB2_1-.Ltmp8, $4  }
0x18a: {  	[hbm4b:s12+s2] =	stream.linear.scatter [tilespmem:s17], [sflag:$0x3], $0xD000, $0x38;
	[tilespmem:$0x1D400] =	vst v63  }
0x18b: {  	_ =	swait.ge [sflag:s14], $0xD000  }
0x18c: {  	[sflag:s14] =	ssyncset.done $0x0  }
0x18d: {  	[sflag:s14] =	ssyncadd.s32 $0xFFFF3000  }
0x18e: {  	_ =	sfence.sel $0x180000  }
0x18f: {  	[bflag:$0x0] =	sbarrier.arrive $0xFFFF  }
0x190: {  	p0 =	sne.s32 s0, $0x0;
	_ =	strace $0x90000047  }
0x191: {  	s0 =	sadd.s32 @!p0 $0x100000, s1;
	[bflag:$0x2] =	sbarrier.arrive $0xFFFF  }
0x192: {  	[sflag:s0] =	ssyncadd.tile.s32 @!p0 $0x1;
	_ =	shalt  }
.Lfunc_end2:
_tile_overlayer_lowered:
.L_overlay_start_2:
0x193: {  	(tag) =	ssettag $0x2  }
0x194: {  	s0 =	rddreg [dreg:$0x0];
	s2 =	stileid.u32  }
0x195: {  	s1 =	rddreg [dreg:$0x1];
	p0 =	sne.s32 s2, $0x0  }
0x196: {  	s3 =	rddreg [dreg:$0x2];
	[bflag:$0x3] =	sbarrier.arrive $0xFFFF;
	s2 =	simm.s32 @!p0 $0x1C03  }
0x197: {  	[timem:s3], [sflag:s2] =	dma.local @!p0 [hbm:s0], s1  }
0x198: {  	s0 =	simm.s32 @!p0 $0x3  }
0x199: {  	_ =	swait.ge @!p0 [sflag:s0], s1  }
0x19a: {  	s1 =	ssub.s32 @!p0 $0x0, s1;
	[sflag:s0] =	ssyncset.done @!p0 $0x0  }
0x19b: {  	[sflag:s0] =	ssyncadd.s32 @!p0 s1  }
0x19c: {  	[bflag:$0x3] =	sbarrier.arrive $0xFFFF  }
0x19d: {  	_ =	shalt  }

// kernel: sparse-core-data-format-call.cloned.1.call-start
scs
called_computation_lowered:
.L_overlay_start_0:
0x0: {  	s2 =	sld [smem:$0x3FD9]  }
0x1: {  	s3 =	sld [smem:$0x3FFE];
	_ =	sdelay $0x1  }
0x2: {  	s1 =	srdreg.scid  }
0x3: {  	s0 =	sand.u32 $0x1, s1  }
0x4: {  	s18 =	sshll.u32 s0, $0xA;
	s2 =	sadd.s32 s3, s2  }
0x5: {  	s2 =	sadd.s32 s2, s18  }
0x6: {  	[smem:$0x3FC6] =	sst s2  }
0x7: {  	_ = 	snop  }
0x8: {  	s2 =	sld [smem:$0x3FD0];
	(tm) =	ssettm $0x1  }
0x9: {  	s19 =	sld [smem:$0x3FFB];
	_ =	sdelay $0x3  }
0xa: {  	_ =	strace s19  }
0xb: {  	s3 =	sld [smem:$0x3FFC];
	_ =	sdelay $0x3  }
0xc: {  	_ =	strace s3  }
0xd: {  	s3 =	sld [smem:$0x3FFD];
	_ =	sdelay $0x3  }
0xe: {  	_ =	strace s3  }
0xf: {  	_ =	strace $0x8FFFFFFF  }
0x10: {  	s20 =	sld [smem:$0x3FDB];
	_ =	sdelay $0x1  }
0x11: {  	s4 =	simm.s32 $_scs_section_size  }
0x12: {  	s5 =	simm.s32 $_size__tile_overlayer_lowered;
	s6 =	simm.s32 $_tile_overlayer_lowered  }
0x13: {  	s23 =	simm.s32 $0x1BFF;
	s22 =	sshll.u32 s6, $0x1;
	s3 =	sadd.s32 s4, s20  }
0x14: {  	s7 =	simm.s32 $0x0;
	s21 =	sshll.u32 s5, $0x1;
	s5 =	sadd.s32 s22, s3  }
0x15: {  	[timem:s7], [sflag:s23] =	dma.local [hbm:s5], s21  }
0x16: {  	_ =	swait.ge [sflag:s23], s21  }
0x17: {  	s4 =	ssub.s32 $0x0, s21;
	[sflag:s23] =	ssyncset.done $0x0  }
0x18: {  	[sflag:s23] =	ssyncadd.s32 s4;
	_ =	sdelay $0x1  }
0x19: {  	s24 =	simm.s32 $0x1B8B  }
0x1a: {  	_ =	swait.ge [sflag:s24], $0x1  }
0x1b: {  	[sflag:s24] =	ssyncset.done $0x0  }
0x1c: {  	s26 =	simm.s32 $0x1B8E;
	s25 =	sld [smem:$0x3FFE];
	[sflag:s24] =	ssyncadd.s32 $0xFFFFFFFF  }
0x1d: {  	s27 =	simm.s32 $execute0_lowered;
	[smem:$0x3FD2] =	sst s26  }
0x1e: {  	s5 =	sshll.u32 s27, $0x1;
	_ =	strace $0x80000049;
	[dreg:$0x1] =	wrdreg $0xFFFFFFFF  }
0x1f: {  	s28 =	simm.s32 $_size_execute0_lowered;
	s3 =	sadd.s32 s3, s5;
	[dreg:$0x0] =	wrdreg $0x0  }
0x20: {  	s5 =	sshll.u32 s28, $0x1;
	[dreg:$0x2] =	wrdreg s3  }
0x21: {  	[dreg:$0x3] =	wrdreg s5  }
0x22: {  	[dreg:$0x4] =	wrdreg $0xC0  }
0x23: {  	_ =	task [dreg:s7], $0x5FFFF  }
0x24: {  	[dreg:$0x1] =	wrdreg $0xFFFFFFFF  }
0x25: {  	[dreg:$0x0] =	wrdreg $0x60  }
0x26: {  	[dreg:$0x2] =	wrdreg s25  }
0x27: {  	[dreg:$0x3] =	wrdreg s2  }
0x28: {  	[dreg:$0x4] =	wrdreg $0x9  }
0x29: {  	_ =	task.clear_ibuf [dreg:s7], $0x5FFFF;
	_ =	strace $0x90000049  }
0x2a: {  	s29 =	simm.s32 $0x9;
	_ =	strace $0x8000004B  }
0x2b: {  	_ =	swait.ge [sflag:s29], $0x1  }
0x2c: {  	[sflag:s29] =	ssyncadd.s32 $0xFFFFFFFF  }
0x2d: {  	_ =	strace $0x9000004B  }
0x2e: {  	_ =	sfence  }
0x2f: {  	s30 =	sld [smem:$0x0];
	_ =	sdelay $0x2  }
0x30: {  	s31 =	sshll.u32 s1, $0xD;
	s1 =	sshrl.u32 s1, $0x2  }
0x31: {  	s3 =	sand.u32 $0x4000, s31;
	s1 =	sadd.s32 s1, s30  }
0x32: {  	s0 =	sor.u32 s3, s0;
	s1 =	sshll.u32 s1, $0x11  }
0x33: {  	s0 =	sor.u32 s1, s0  }
0x34: {  	s0 =	sadd.s32 $0x8F2B, s0  }
0x35: {  	[sflag:s0] =	ssyncadd.remote.s32 $0x1  }
0x36: {  	_ =	sfence.sel $0xFFFF  }
0x37: {  	[dreg:$0x0] =	wrdreg $0xFFFFFFFF;
	(pc) =	sbr.abs _section_cstart, $3  }
0x38: {  	[dreg:$0x1] =	wrdreg $0xFFFFFFFF  }
0x39: {  	_ =	task.clear_ibuf [dreg:s7], $0x2FFFF;
	_ =	strace $0x9FFFFFFF  }
0x3a: {  	(tm) =	ssettm $0x7FFFFFFF  }
0x3b: {  	_ =	shalt  }
tec
execute0_lowered:
.L_overlay_start_1:
0x0: {  	(tag) =	ssettag $0x1  }
0x1: {  	s0 =	srdreg.scid  }
0x2: {  	s1 =	sshll.u32 s0, $0x4  }
0x3: {  	s4 =	rddreg [dreg:$0x0];
	s0 =	stileid.u32;
	s1 =	sand.u32 $0x10, s1  }
0x4: {  	s2 =	rddreg [dreg:$0x1];
	s7 =	simm.s32 $0x1;
	s1 =	sor.u32 s0, s1  }
0x5: {  	s8 =	simm.s32 $0x2;
	s11 =	simm.s32 $0x0;
	s3 =	sshll.u32 s1, $0x7  }
0x6: {  	s10 =	simm.s32 $0x0;
	s4 =	sadd.s32 $0x800, s4;
	s6 =	ssub.s32 $0x68000, s3  }
.Ltmp0:
0x7: {  	s1 =	rddreg [dreg:$0x2];
	s5 =	sand.u32 $0xF80, s6;
	(pc) =	sbr.rel .LBB1_1-.Ltmp0, $4  }
0x8: {  	_ =	strace $0x8000004A;
	s9 =	smov.u32 s3;
	p0 =	sne.s32 s5, $0x0  }
0x9: {  	s6 =	sshrl.u32 s6, $0xC;
	s5 =	simm.s32 $0x1;
	s7 =	simm.s32 @!p0 $0x0  }
0xa: {  	[sflag:s5] =	ssyncpa.u1 $0x0;
	p0 =	por $0x0, $0x0;
	s6 =	sadd.s32 s7, s6  }
0xb: {  	[sflag:s8] =	ssyncpa.u1 $0x0;
	s8 =	simm.s32 $0x340000;
	s7 =	sadd.s32 $0x1, s6  }
.LBB1_4:
0xc: {  	s14 =	sshll.u32 s11, $0x3  }
0xd: {  	s30 =	sand.u32 $0x7F, s11;
	s15 =	sand.u32 $0xFFFFFC00, s14  }
0xe: {  	s11 =	sor.u32 s30, s15  }
0xf: {  	s15 =	smulhi.u32 $0x4EC4EC4F, s11  }
0x10: {  	s14 =	smulhi.u32 $0x4EC4EC4F, s14  }
0x11: {  	s15 =	sshrl.u32 s15, $0x11  }
0x12: {  	s14 =	sshrl.u32 s14, $0x11;
	s15 =	smul.u32 $0x68000, s15  }
0x13: {  	s14 =	sand.u32 $0x1F, s14  }
0x14: {  	s14 =	smul.u32 $0xD000, s14;
	s11 =	ssub.s32 s11, s15  }
0x15: {  	s15 =	sand.u32 $0x7, s11  }
0x16: {  	s14 =	sadd.s32 s2, s14;
	s11 =	sshrl.u32 s11, $0x3;
	s15 =	sshll.u32 s15, $0x12  }
0x17: {  	[tilespmem:s13+$0x0 ss:$0x81] =	vst.msk $0xffff, v0;
	s11 =	sadd.s32 s11, s14;
	s31 =	sor.u32 $0x400, s15  }
0x18: {  	[hbm4b:s11+s31] =	stream.strided.scatter [tilespmem:s12], [sflag:$0x2], $0x1000, s8, s31, $0x20;
	[tilespmem:$0x4040] =	vst v63  }
.LBB1_5:
0x19: {  	s13 =	sadd.s32 $0x1000, s9  }
0x1a: {  	p2 =	sgt.s32 s13, $0x67FFF  }
0x1b: {  	s13 =	smov.u32 @p2 s3;
	p2 =	sne.s32 s10, s7  }
.Ltmp1:
0x1c: {  	p1 =	slt.u32 s10, $0x2;
	(pc) =	sbr.rel @!p2 .LBB1_6-.Ltmp1, $4  }
0x1d: {  	s12 =	simm.s32 @!p1 $0x2  }
0x1e: {  	s14 =	sadd.s32 $0x1, s10;
	_ =	swait.ge @!p1 [sflag:s12], $0x1000  }
0x1f: {  	s11 =	smov.u32 s9;
	p0 =	por !p0, !p0;
	[sflag:s12] =	ssyncset.done @!p1 $0x0  }
0x20: {  	s10 =	smov.u32 s14;
	s9 =	smov.u32 s13;
	[sflag:s12] =	ssyncadd.s32 @!p1 $0xFFFFF000  }
.LBB1_1:
0x21: {  	p1 =	sge.u32 s10, s6  }
0x22: {  	s12 =	sand.u32 @!p1 $0x1FFFFFF, s9  }
0x23: {  	s13 =	smulhi.u32 @!p1 $0x2762763, s12;
	_ =	sdelay $0x1  }
0x24: {  	s13 =	sshrl.u32 @!p1 s13, $0xC  }
0x25: {  	s13 =	smul.u32 @!p1 $0x68000, s13;
	_ =	sdelay $0x1  }
0x26: {  	s31 =	sadd.s32 $0xFFFFFFFF, s10;
	s14 =	sxor.u32 @!p1 $0xFFFFFFFF, s10;
	s12 =	ssub.s32 @!p1 s12, s13  }
0x27: {  	s15 =	simm.s32 @!p1 $0x80;
	s14 =	sshll.u32 @!p1 s14, $0xC;
	s12 =	sshll.u32 @!p1 s12, $0x4  }
0x28: {  	s13 =	sand.u32 @!p1 $0x1000, s14;
	s14 =	simm.s32 @!p1 $0x20;
	s12 =	sadd.s32 @!p1 s4, s12  }
0x29: {  	[tilespmem:s13], [sflag:$0x1] =	stream.strided.gather @!p1 [hbm4b:s12+s14], $0x1000, s15, s14, $0x38;
	[tilespmem:$0x4040] =	vst v63  }
0x2a: {  	p1 =	sge.u32 s31, s6  }
.Ltmp2:
0x2b: {  	_ = 	snop;
	(pc) =	sbr.rel @p1 .LBB1_5-.Ltmp2, $1  }
0x2c: {  	_ =	sdelay $0x3  }
0x2d: {  	s12 =	simm.s32 $0x1  }
0x2e: {  	_ =	swait.ge [sflag:s5], $0x1000;
	s12 =	simm.s32 @!p0 $0x0  }
0x2f: {  	[sflag:s5] =	ssyncset.done $0x0;
	s13 =	sshll.u32 s12, $0xC  }
0x30: {  	[sflag:s5] =	ssyncadd.s32 $0xFFFFF000;
	s16 =	sor.u32 $0x10, s13  }
0x31: {  	s12 =	smul.u32 $0x4080, s12;
	v1 =	vld [tilespmem:s16+$0x0]  }
0x32: {  	s30 =	sand.u32 $0x1, s10;
	v0 =	vld [tilespmem:s16+$0xFFFFFFF0]  }
0x33: {  	s13 =	smul.u32 $0x4080, s30;
	s12 =	sshrl.u32 s12, $0x2  }
0x34: {  	s14 =	sor.u32 $0x2000, s12  }
0x35: {  	s31 =	sshrl.u32 s13, $0x2;
	s13 =	sadd.s32 $0x0, s14  }
0x36: {  	s15 =	simm.s32 $0x4;
	s16 =	sadd.s32 $0x20, s16;
	s12 =	sor.u32 $0x2000, s31;
	[tilespmem:s13+$0x810 ss:$0x81] =	vst.msk $0xffff, v1  }
.LBB1_3:
0x37: {  	v1 =	vld [tilespmem:s16+$0x0];
	p1 =	sne.s32 s15, $0x1FC;
	[tilespmem:s13+$0x0 ss:$0x81] =	vst.msk $0xffff, v0;
	s13 =	smov.u32 s15;
	s15 =	sadd.s32 $0x4, s15  }
.Ltmp3:
0x38: {  	v0 =	vld [tilespmem:s16+$0xFFFFFFF0];
	(pc) =	sbr.rel @p1 .LBB1_3-.Ltmp3, $4  }
0x39: {  	_ = 	snop  }
0x3a: {  	s13 =	sshra.s32 s13, $0x2  }
0x3b: {  	s13 =	sadd.s32 s13, s14  }
0x3c: {  	s16 =	sadd.s32 $0x20, s16;
	[tilespmem:s13+$0x810 ss:$0x81] =	vst.msk $0xffff, v1  }
.Ltmp4:
0x3d: {  	_ = 	snop;
	(pc) =	sbr.rel .LBB1_4-.Ltmp4, $1  }
0x3e: {  	_ =	sdelay $0x3  }
.LBB1_6:
0x3f: {  	_ =	sfence.sel $0x180000  }
0x40: {  	s2 =	simm.s32 $0x1;
	[bflag:$0x0] =	sbarrier.arrive $0xFFFF  }
0x41: {  	s31 =	simm.s32 $0x2;
	[sflag:s2] =	ssyncpa.u1 $0x1  }
0x42: {  	[sflag:s31] =	ssyncpa.u1 $0x1  }
0x43: {  	p0 =	sne.s32 s0, $0x0;
	_ =	strace $0x9000004A  }
0x44: {  	s0 =	sadd.s32 @!p0 $0x100000, s1;
	[bflag:$0x2] =	sbarrier.arrive $0xFFFF  }
0x45: {  	[sflag:s0] =	ssyncadd.tile.s32 @!p0 $0x1;
	_ =	shalt  }
.Lfunc_end1:
_tile_overlayer_lowered:
.L_overlay_start_2:
0x46: {  	(tag) =	ssettag $0x2  }
0x47: {  	s0 =	rddreg [dreg:$0x0];
	s2 =	stileid.u32  }
0x48: {  	s1 =	rddreg [dreg:$0x1];
	p0 =	sne.s32 s2, $0x0  }
0x49: {  	s3 =	rddreg [dreg:$0x2];
	[bflag:$0x3] =	sbarrier.arrive $0xFFFF;
	s2 =	simm.s32 @!p0 $0x1C01  }
0x4a: {  	[timem:s3], [sflag:s2] =	dma.local @!p0 [hbm:s0], s1  }
0x4b: {  	s0 =	simm.s32 @!p0 $0x1  }
0x4c: {  	_ =	swait.ge @!p0 [sflag:s0], s1  }
0x4d: {  	s1 =	ssub.s32 @!p0 $0x0, s1;
	[sflag:s0] =	ssyncset.done @!p0 $0x0  }
0x4e: {  	[sflag:s0] =	ssyncadd.s32 @!p0 s1  }
0x4f: {  	[bflag:$0x3] =	sbarrier.arrive $0xFFFF  }
0x50: {  	_ =	shalt  }

</sc_bundles>
